<compile_context>
chip_gen: v7x
topology: tpu7x:2x2x1
jax: 0.10.2.dev20260603
libtpu: 0.0.44.dev20260713+nightly
codegen_flags: <defaults>
</compile_context>

<pallas_src>
import functools

import jax
import jax.numpy as jnp
from jax import lax
from jax.experimental import pallas as pl
from jax.experimental.pallas import tpu as pltpu
from jax.experimental.pallas import tpu_sc as plsc

_INFO = plsc.get_sparse_core_info()
_NC, _NS = _INFO.num_cores, _INFO.num_subcores
_NW = _NC * _NS

_CHUNK = 64


def kernel(x):
    B, T, C = x.shape
    rows = B * T
    x2 = x.reshape(rows, C)
    rpw = rows // _NW
    n_chunks = rpw // _CHUNK

    mesh = plsc.VectorSubcoreMesh(core_axis_name="c", subcore_axis_name="s")

    @functools.partial(
        pl.kernel,
        mesh=mesh,
        out_type=jax.ShapeDtypeStruct((rows, C), x.dtype),
        scratch_types=[
            pltpu.VMEM((_CHUNK, C), x.dtype),
            pltpu.VMEM((_CHUNK, C), x.dtype),
            pltpu.SemaphoreType.DMA,
            pltpu.SemaphoreType.DMA,
            pltpu.SemaphoreType.DMA,
            pltpu.SemaphoreType.DMA,
        ],
    )
    def sc_copy(x_hbm, o_hbm, buf0, buf1, in0, in1, out0, out1):
        wid = lax.axis_index("s") * _NC + lax.axis_index("c")
        base = wid * rpw
        bufs = (buf0, buf1)
        in_sems = (in0, in1)
        out_sems = (out0, out1)

        def load(i):
            s = i % 2
            pltpu.make_async_copy(
                x_hbm.at[pl.ds(base + i * _CHUNK, _CHUNK)], bufs[s], in_sems[s]
            ).start()

        def wait_load(i):
            s = i % 2
            pltpu.make_async_copy(
                x_hbm.at[pl.ds(base + i * _CHUNK, _CHUNK)], bufs[s], in_sems[s]
            ).wait()

        def store(i):
            s = i % 2
            pltpu.make_async_copy(
                bufs[s], o_hbm.at[pl.ds(base + i * _CHUNK, _CHUNK)], out_sems[s]
            ).start()

        def wait_store(i):
            s = i % 2
            pltpu.make_async_copy(
                bufs[s], o_hbm.at[pl.ds(base + i * _CHUNK, _CHUNK)], out_sems[s]
            ).wait()

        load(0)
        for i in range(n_chunks):
            if i + 1 < n_chunks:
                if i >= 1:
                    wait_store(i - 1)
                load(i + 1)
            wait_load(i)
            store(i)
        for i in range(max(n_chunks - 2, 0), n_chunks):
            wait_store(i)

    return sc_copy(x2).reshape(B, T, C)

# --- scband reference (transcript-rebuilt; emitter-appended) ---
"""Pipeline reference for scband-mo-e-ds-54082228191705 (READ-ONLY COPY).

The authoritative reference and input builder live on the scoring server;
editing this copy changes nothing except your own understanding.
"""

import jax, jax.numpy as jnp
import numpy as np

def setup_inputs(seed: int = 0) -> dict:
    key = jax.random.key(seed)
    x = jax.random.normal(key, (4, 8192, 768), dtype=jnp.float32)
    return {"x": x}

def reference(x):
    # Faithful translation of MoE_ds.forward: despite constructing a router and
    # expert in __init__, the forward as written only does x.view(B, T, C) and
    # returns it — i.e., an identity reshape of the input.
    B, T, C = x.shape
    return x.reshape(B, T, C)

if __name__ == "__main__":
    import jax
    _d = setup_inputs()
    print(jax.jit(kernel)(*tuple(_d.values())))

</pallas_src>

<mosaic_0001>
#map = affine_map<(d0, d1) -> (0, 0)>
module attributes {stable_mosaic.version = 14 : i64} {
  func.func @sc_copy(%arg0: i32, %arg1: i32, %arg2: memref<32768x768xf32, #tpu.memory_space<hbm>>, %arg3: memref<32768x768xf32, #tpu.memory_space<hbm>>, %arg4: memref<64x768xf32, #tpu.memory_space<vmem>>, %arg5: memref<64x768xf32, #tpu.memory_space<vmem>>, %arg6: memref<!tpu.dma_semaphore, #tpu.memory_space<semaphore_mem>>, %arg7: memref<!tpu.dma_semaphore, #tpu.memory_space<semaphore_mem>>, %arg8: memref<!tpu.dma_semaphore, #tpu.memory_space<semaphore_mem>>, %arg9: memref<!tpu.dma_semaphore, #tpu.memory_space<semaphore_mem>>) attributes {dimension_semantics = [#tpu.dimension_semantics<core_parallel>, #tpu.dimension_semantics<subcore_parallel>], iteration_bounds = array<i64: 2, 16>, scalar_prefetch = 0 : i64, scratch_operands = 6 : i64, tpu.core_type = #tpu.core_type<sc_vector_subcore>, window_params = [{transform_indices = #map}, {transform_indices = #map}]} {
    %mul3A = arith.constant 2 : i32
    %mul3A_0 = arith.muli %arg1, %mul3A : i32
    %add3A = arith.addi %mul3A_0, %arg0 : i32
    %mul3A_1 = arith.constant 1024 : i32
    %mul3A_2 = arith.muli %add3A, %mul3A_1 : i32
    %add3A_3 = arith.constant 0 : i32
    %add3A_4 = arith.addi %mul3A_2, %add3A_3 : i32
    %dma_start3A = arith.constant 0 : i32
    %dma_start3A_5 = tpu.memref_slice %arg2[%add3A_4, %dma_start3A] : memref<32768x768xf32, #tpu.memory_space<hbm>> -> memref<64x768xf32, #tpu.memory_space<hbm>>
    %dma_start3A_6 = arith.constant 0 : i32
    %dma_start3A_7 = tpu.memref_slice %arg2[%add3A_4, %dma_start3A_6] : memref<32768x768xf32, #tpu.memory_space<hbm>> -> memref<64x768xf32, #tpu.memory_space<hbm>>
    tpu.enqueue_dma source(%dma_start3A_7 : memref<64x768xf32, #tpu.memory_space<hbm>>) target(%arg4 : memref<64x768xf32, #tpu.memory_space<vmem>>) target_semaphore(%arg6 : memref<!tpu.dma_semaphore, #tpu.memory_space<semaphore_mem>>)
    %add3A_8 = arith.constant 64 : i32
    %add3A_9 = arith.addi %mul3A_2, %add3A_8 : i32
    %dma_start3A_10 = arith.constant 0 : i32
    %dma_start3A_11 = tpu.memref_slice %arg2[%add3A_9, %dma_start3A_10] : memref<32768x768xf32, #tpu.memory_space<hbm>> -> memref<64x768xf32, #tpu.memory_space<hbm>>
    %dma_start3A_12 = arith.constant 0 : i32
    %dma_start3A_13 = tpu.memref_slice %arg2[%add3A_9, %dma_start3A_12] : memref<32768x768xf32, #tpu.memory_space<hbm>> -> memref<64x768xf32, #tpu.memory_space<hbm>>
    tpu.enqueue_dma source(%dma_start3A_13 : memref<64x768xf32, #tpu.memory_space<hbm>>) target(%arg5 : memref<64x768xf32, #tpu.memory_space<vmem>>) target_semaphore(%arg7 : memref<!tpu.dma_semaphore, #tpu.memory_space<semaphore_mem>>)
    %add3A_14 = arith.constant 0 : i32
    %add3A_15 = arith.addi %mul3A_2, %add3A_14 : i32
    %dma_wait3A = arith.constant 0 : i32
    %dma_wait3A_16 = tpu.memref_slice %arg2[%add3A_15, %dma_wait3A] : memref<32768x768xf32, #tpu.memory_space<hbm>> -> memref<64x768xf32, #tpu.memory_space<hbm>>
    %dma_wait3A_17 = arith.constant 0 : i32
    %dma_wait3A_18 = tpu.memref_slice %arg2[%add3A_15, %dma_wait3A_17] : memref<32768x768xf32, #tpu.memory_space<hbm>> -> memref<64x768xf32, #tpu.memory_space<hbm>>
    tpu.wait_dma2 semaphore(%arg6 : memref<!tpu.dma_semaphore, #tpu.memory_space<semaphore_mem>>) src(%dma_wait3A_18 : memref<64x768xf32, #tpu.memory_space<hbm>>) dst(%arg4 : memref<64x768xf32, #tpu.memory_space<vmem>>)
    %add3A_19 = arith.constant 0 : i32
    %add3A_20 = arith.addi %mul3A_2, %add3A_19 : i32
    %dma_start3A_21 = arith.constant 0 : i32
    %dma_start3A_22 = tpu.memref_slice %arg3[%add3A_20, %dma_start3A_21] : memref<32768x768xf32, #tpu.memory_space<hbm>> -> memref<64x768xf32, #tpu.memory_space<hbm>>
    %dma_start3A_23 = arith.constant 0 : i32
    %dma_start3A_24 = tpu.memref_slice %arg3[%add3A_20, %dma_start3A_23] : memref<32768x768xf32, #tpu.memory_space<hbm>> -> memref<64x768xf32, #tpu.memory_space<hbm>>
    tpu.enqueue_dma source(%arg4 : memref<64x768xf32, #tpu.memory_space<vmem>>) target(%dma_start3A_24 : memref<64x768xf32, #tpu.memory_space<hbm>>) target_semaphore(%arg8 : memref<!tpu.dma_semaphore, #tpu.memory_space<semaphore_mem>>)
    %add3A_25 = arith.constant 0 : i32
    %add3A_26 = arith.addi %mul3A_2, %add3A_25 : i32
    %dma_wait3A_27 = arith.constant 0 : i32
    %dma_wait3A_28 = tpu.memref_slice %arg3[%add3A_26, %dma_wait3A_27] : memref<32768x768xf32, #tpu.memory_space<hbm>> -> memref<64x768xf32, #tpu.memory_space<hbm>>
    %dma_wait3A_29 = arith.constant 0 : i32
    %dma_wait3A_30 = tpu.memref_slice %arg3[%add3A_26, %dma_wait3A_29] : memref<32768x768xf32, #tpu.memory_space<hbm>> -> memref<64x768xf32, #tpu.memory_space<hbm>>
    tpu.wait_dma2 semaphore(%arg8 : memref<!tpu.dma_semaphore, #tpu.memory_space<semaphore_mem>>) src(%arg4 : memref<64x768xf32, #tpu.memory_space<vmem>>) dst(%dma_wait3A_30 : memref<64x768xf32, #tpu.memory_space<hbm>>)
    %add3A_31 = arith.constant 128 : i32
    %add3A_32 = arith.addi %mul3A_2, %add3A_31 : i32
    %dma_start3A_33 = arith.constant 0 : i32
    %dma_start3A_34 = tpu.memref_slice %arg2[%add3A_32, %dma_start3A_33] : memref<32768x768xf32, #tpu.memory_space<hbm>> -> memref<64x768xf32, #tpu.memory_space<hbm>>
    %dma_start3A_35 = arith.constant 0 : i32
    %dma_start3A_36 = tpu.memref_slice %arg2[%add3A_32, %dma_start3A_35] : memref<32768x768xf32, #tpu.memory_space<hbm>> -> memref<64x768xf32, #tpu.memory_space<hbm>>
    tpu.enqueue_dma source(%dma_start3A_36 : memref<64x768xf32, #tpu.memory_space<hbm>>) target(%arg4 : memref<64x768xf32, #tpu.memory_space<vmem>>) target_semaphore(%arg6 : memref<!tpu.dma_semaphore, #tpu.memory_space<semaphore_mem>>)
    %add3A_37 = arith.constant 64 : i32
    %add3A_38 = arith.addi %mul3A_2, %add3A_37 : i32
    %dma_wait3A_39 = arith.constant 0 : i32
    %dma_wait3A_40 = tpu.memref_slice %arg2[%add3A_38, %dma_wait3A_39] : memref<32768x768xf32, #tpu.memory_space<hbm>> -> memref<64x768xf32, #tpu.memory_space<hbm>>
    %dma_wait3A_41 = arith.constant 0 : i32
    %dma_wait3A_42 = tpu.memref_slice %arg2[%add3A_38, %dma_wait3A_41] : memref<32768x768xf32, #tpu.memory_space<hbm>> -> memref<64x768xf32, #tpu.memory_space<hbm>>
    tpu.wait_dma2 semaphore(%arg7 : memref<!tpu.dma_semaphore, #tpu.memory_space<semaphore_mem>>) src(%dma_wait3A_42 : memref<64x768xf32, #tpu.memory_space<hbm>>) dst(%arg5 : memref<64x768xf32, #tpu.memory_space<vmem>>)
    %add3A_43 = arith.constant 64 : i32
    %add3A_44 = arith.addi %mul3A_2, %add3A_43 : i32
    %dma_start3A_45 = arith.constant 0 : i32
    %dma_start3A_46 = tpu.memref_slice %arg3[%add3A_44, %dma_start3A_45] : memref<32768x768xf32, #tpu.memory_space<hbm>> -> memref<64x768xf32, #tpu.memory_space<hbm>>
    %dma_start3A_47 = arith.constant 0 : i32
    %dma_start3A_48 = tpu.memref_slice %arg3[%add3A_44, %dma_start3A_47] : memref<32768x768xf32, #tpu.memory_space<hbm>> -> memref<64x768xf32, #tpu.memory_space<hbm>>
    tpu.enqueue_dma source(%arg5 : memref<64x768xf32, #tpu.memory_space<vmem>>) target(%dma_start3A_48 : memref<64x768xf32, #tpu.memory_space<hbm>>) target_semaphore(%arg9 : memref<!tpu.dma_semaphore, #tpu.memory_space<semaphore_mem>>)
    %add3A_49 = arith.constant 64 : i32
    %add3A_50 = arith.addi %mul3A_2, %add3A_49 : i32
    %dma_wait3A_51 = arith.constant 0 : i32
    %dma_wait3A_52 = tpu.memref_slice %arg3[%add3A_50, %dma_wait3A_51] : memref<32768x768xf32, #tpu.memory_space<hbm>> -> memref<64x768xf32, #tpu.memory_space<hbm>>
    %dma_wait3A_53 = arith.constant 0 : i32
    %dma_wait3A_54 = tpu.memref_slice %arg3[%add3A_50, %dma_wait3A_53] : memref<32768x768xf32, #tpu.memory_space<hbm>> -> memref<64x768xf32, #tpu.memory_space<hbm>>
    tpu.wait_dma2 semaphore(%arg9 : memref<!tpu.dma_semaphore, #tpu.memory_space<semaphore_mem>>) src(%arg5 : memref<64x768xf32, #tpu.memory_space<vmem>>) dst(%dma_wait3A_54 : memref<64x768xf32, #tpu.memory_space<hbm>>)
    %add3A_55 = arith.constant 192 : i32
    %add3A_56 = arith.addi %mul3A_2, %add3A_55 : i32
    %dma_start3A_57 = arith.constant 0 : i32
    %dma_start3A_58 = tpu.memref_slice %arg2[%add3A_56, %dma_start3A_57] : memref<32768x768xf32, #tpu.memory_space<hbm>> -> memref<64x768xf32, #tpu.memory_space<hbm>>
    %dma_start3A_59 = arith.constant 0 : i32
    %dma_start3A_60 = tpu.memref_slice %arg2[%add3A_56, %dma_start3A_59] : memref<32768x768xf32, #tpu.memory_space<hbm>> -> memref<64x768xf32, #tpu.memory_space<hbm>>
    tpu.enqueue_dma source(%dma_start3A_60 : memref<64x768xf32, #tpu.memory_space<hbm>>) target(%arg5 : memref<64x768xf32, #tpu.memory_space<vmem>>) target_semaphore(%arg7 : memref<!tpu.dma_semaphore, #tpu.memory_space<semaphore_mem>>)
    %add3A_61 = arith.constant 128 : i32
    %add3A_62 = arith.addi %mul3A_2, %add3A_61 : i32
    %dma_wait3A_63 = arith.constant 0 : i32
    %dma_wait3A_64 = tpu.memref_slice %arg2[%add3A_62, %dma_wait3A_63] : memref<32768x768xf32, #tpu.memory_space<hbm>> -> memref<64x768xf32, #tpu.memory_space<hbm>>
    %dma_wait3A_65 = arith.constant 0 : i32
    %dma_wait3A_66 = tpu.memref_slice %arg2[%add3A_62, %dma_wait3A_65] : memref<32768x768xf32, #tpu.memory_space<hbm>> -> memref<64x768xf32, #tpu.memory_space<hbm>>
    tpu.wait_dma2 semaphore(%arg6 : memref<!tpu.dma_semaphore, #tpu.memory_space<semaphore_mem>>) src(%dma_wait3A_66 : memref<64x768xf32, #tpu.memory_space<hbm>>) dst(%arg4 : memref<64x768xf32, #tpu.memory_space<vmem>>)
    %add3A_67 = arith.constant 128 : i32
    %add3A_68 = arith.addi %mul3A_2, %add3A_67 : i32
    %dma_start3A_69 = arith.constant 0 : i32
    %dma_start3A_70 = tpu.memref_slice %arg3[%add3A_68, %dma_start3A_69] : memref<32768x768xf32, #tpu.memory_space<hbm>> -> memref<64x768xf32, #tpu.memory_space<hbm>>
    %dma_start3A_71 = arith.constant 0 : i32
    %dma_start3A_72 = tpu.memref_slice %arg3[%add3A_68, %dma_start3A_71] : memref<32768x768xf32, #tpu.memory_space<hbm>> -> memref<64x768xf32, #tpu.memory_space<hbm>>
    tpu.enqueue_dma source(%arg4 : memref<64x768xf32, #tpu.memory_space<vmem>>) target(%dma_start3A_72 : memref<64x768xf32, #tpu.memory_space<hbm>>) target_semaphore(%arg8 : memref<!tpu.dma_semaphore, #tpu.memory_space<semaphore_mem>>)
    %add3A_73 = arith.constant 128 : i32
    %add3A_74 = arith.addi %mul3A_2, %add3A_73 : i32
    %dma_wait3A_75 = arith.constant 0 : i32
    %dma_wait3A_76 = tpu.memref_slice %arg3[%add3A_74, %dma_wait3A_75] : memref<32768x768xf32, #tpu.memory_space<hbm>> -> memref<64x768xf32, #tpu.memory_space<hbm>>
    %dma_wait3A_77 = arith.constant 0 : i32
    %dma_wait3A_78 = tpu.memref_slice %arg3[%add3A_74, %dma_wait3A_77] : memref<32768x768xf32, #tpu.memory_space<hbm>> -> memref<64x768xf32, #tpu.memory_space<hbm>>
    tpu.wait_dma2 semaphore(%arg8 : memref<!tpu.dma_semaphore, #tpu.memory_space<semaphore_mem>>) src(%arg4 : memref<64x768xf32, #tpu.memory_space<vmem>>) dst(%dma_wait3A_78 : memref<64x768xf32, #tpu.memory_space<hbm>>)
    %add3A_79 = arith.constant 256 : i32
    %add3A_80 = arith.addi %mul3A_2, %add3A_79 : i32
    %dma_start3A_81 = arith.constant 0 : i32
    %dma_start3A_82 = tpu.memref_slice %arg2[%add3A_80, %dma_start3A_81] : memref<32768x768xf32, #tpu.memory_space<hbm>> -> memref<64x768xf32, #tpu.memory_space<hbm>>
    %dma_start3A_83 = arith.constant 0 : i32
    %dma_start3A_84 = tpu.memref_slice %arg2[%add3A_80, %dma_start3A_83] : memref<32768x768xf32, #tpu.memory_space<hbm>> -> memref<64x768xf32, #tpu.memory_space<hbm>>
    tpu.enqueue_dma source(%dma_start3A_84 : memref<64x768xf32, #tpu.memory_space<hbm>>) target(%arg4 : memref<64x768xf32, #tpu.memory_space<vmem>>) target_semaphore(%arg6 : memref<!tpu.dma_semaphore, #tpu.memory_space<semaphore_mem>>)
    %add3A_85 = arith.constant 192 : i32
    %add3A_86 = arith.addi %mul3A_2, %add3A_85 : i32
    %dma_wait3A_87 = arith.constant 0 : i32
    %dma_wait3A_88 = tpu.memref_slice %arg2[%add3A_86, %dma_wait3A_87] : memref<32768x768xf32, #tpu.memory_space<hbm>> -> memref<64x768xf32, #tpu.memory_space<hbm>>
    %dma_wait3A_89 = arith.constant 0 : i32
    %dma_wait3A_90 = tpu.memref_slice %arg2[%add3A_86, %dma_wait3A_89] : memref<32768x768xf32, #tpu.memory_space<hbm>> -> memref<64x768xf32, #tpu.memory_space<hbm>>
    tpu.wait_dma2 semaphore(%arg7 : memref<!tpu.dma_semaphore, #tpu.memory_space<semaphore_mem>>) src(%dma_wait3A_90 : memref<64x768xf32, #tpu.memory_space<hbm>>) dst(%arg5 : memref<64x768xf32, #tpu.memory_space<vmem>>)
    %add3A_91 = arith.constant 192 : i32
    %add3A_92 = arith.addi %mul3A_2, %add3A_91 : i32
    %dma_start3A_93 = arith.constant 0 : i32
    %dma_start3A_94 = tpu.memref_slice %arg3[%add3A_92, %dma_start3A_93] : memref<32768x768xf32, #tpu.memory_space<hbm>> -> memref<64x768xf32, #tpu.memory_space<hbm>>
    %dma_start3A_95 = arith.constant 0 : i32
    %dma_start3A_96 = tpu.memref_slice %arg3[%add3A_92, %dma_start3A_95] : memref<32768x768xf32, #tpu.memory_space<hbm>> -> memref<64x768xf32, #tpu.memory_space<hbm>>
    tpu.enqueue_dma source(%arg5 : memref<64x768xf32, #tpu.memory_space<vmem>>) target(%dma_start3A_96 : memref<64x768xf32, #tpu.memory_space<hbm>>) target_semaphore(%arg9 : memref<!tpu.dma_semaphore, #tpu.memory_space<semaphore_mem>>)
    %add3A_97 = arith.constant 192 : i32
    %add3A_98 = arith.addi %mul3A_2, %add3A_97 : i32
    %dma_wait3A_99 = arith.constant 0 : i32
    %dma_wait3A_100 = tpu.memref_slice %arg3[%add3A_98, %dma_wait3A_99] : memref<32768x768xf32, #tpu.memory_space<hbm>> -> memref<64x768xf32, #tpu.memory_space<hbm>>
    %dma_wait3A_101 = arith.constant 0 : i32
    %dma_wait3A_102 = tpu.memref_slice %arg3[%add3A_98, %dma_wait3A_101] : memref<32768x768xf32, #tpu.memory_space<hbm>> -> memref<64x768xf32, #tpu.memory_space<hbm>>
    tpu.wait_dma2 semaphore(%arg9 : memref<!tpu.dma_semaphore, #tpu.memory_space<semaphore_mem>>) src(%arg5 : memref<64x768xf32, #tpu.memory_space<vmem>>) dst(%dma_wait3A_102 : memref<64x768xf32, #tpu.memory_space<hbm>>)
    %add3A_103 = arith.constant 320 : i32
    %add3A_104 = arith.addi %mul3A_2, %add3A_103 : i32
    %dma_start3A_105 = arith.constant 0 : i32
    %dma_start3A_106 = tpu.memref_slice %arg2[%add3A_104, %dma_start3A_105] : memref<32768x768xf32, #tpu.memory_space<hbm>> -> memref<64x768xf32, #tpu.memory_space<hbm>>
    %dma_start3A_107 = arith.constant 0 : i32
    %dma_start3A_108 = tpu.memref_slice %arg2[%add3A_104, %dma_start3A_107] : memref<32768x768xf32, #tpu.memory_space<hbm>> -> memref<64x768xf32, #tpu.memory_space<hbm>>
    tpu.enqueue_dma source(%dma_start3A_108 : memref<64x768xf32, #tpu.memory_space<hbm>>) target(%arg5 : memref<64x768xf32, #tpu.memory_space<vmem>>) target_semaphore(%arg7 : memref<!tpu.dma_semaphore, #tpu.memory_space<semaphore_mem>>)
    %add3A_109 = arith.constant 256 : i32
    %add3A_110 = arith.addi %mul3A_2, %add3A_109 : i32
    %dma_wait3A_111 = arith.constant 0 : i32
    %dma_wait3A_112 = tpu.memref_slice %arg2[%add3A_110, %dma_wait3A_111] : memref<32768x768xf32, #tpu.memory_space<hbm>> -> memref<64x768xf32, #tpu.memory_space<hbm>>
    %dma_wait3A_113 = arith.constant 0 : i32
    %dma_wait3A_114 = tpu.memref_slice %arg2[%add3A_110, %dma_wait3A_113] : memref<32768x768xf32, #tpu.memory_space<hbm>> -> memref<64x768xf32, #tpu.memory_space<hbm>>
    tpu.wait_dma2 semaphore(%arg6 : memref<!tpu.dma_semaphore, #tpu.memory_space<semaphore_mem>>) src(%dma_wait3A_114 : memref<64x768xf32, #tpu.memory_space<hbm>>) dst(%arg4 : memref<64x768xf32, #tpu.memory_space<vmem>>)
    %add3A_115 = arith.constant 256 : i32
    %add3A_116 = arith.addi %mul3A_2, %add3A_115 : i32
    %dma_start3A_117 = arith.constant 0 : i32
    %dma_start3A_118 = tpu.memref_slice %arg3[%add3A_116, %dma_start3A_117] : memref<32768x768xf32, #tpu.memory_space<hbm>> -> memref<64x768xf32, #tpu.memory_space<hbm>>
    %dma_start3A_119 = arith.constant 0 : i32
    %dma_start3A_120 = tpu.memref_slice %arg3[%add3A_116, %dma_start3A_119] : memref<32768x768xf32, #tpu.memory_space<hbm>> -> memref<64x768xf32, #tpu.memory_space<hbm>>
    tpu.enqueue_dma source(%arg4 : memref<64x768xf32, #tpu.memory_space<vmem>>) target(%dma_start3A_120 : memref<64x768xf32, #tpu.memory_space<hbm>>) target_semaphore(%arg8 : memref<!tpu.dma_semaphore, #tpu.memory_space<semaphore_mem>>)
    %add3A_121 = arith.constant 256 : i32
    %add3A_122 = arith.addi %mul3A_2, %add3A_121 : i32
    %dma_wait3A_123 = arith.constant 0 : i32
    %dma_wait3A_124 = tpu.memref_slice %arg3[%add3A_122, %dma_wait3A_123] : memref<32768x768xf32, #tpu.memory_space<hbm>> -> memref<64x768xf32, #tpu.memory_space<hbm>>
    %dma_wait3A_125 = arith.constant 0 : i32
    %dma_wait3A_126 = tpu.memref_slice %arg3[%add3A_122, %dma_wait3A_125] : memref<32768x768xf32, #tpu.memory_space<hbm>> -> memref<64x768xf32, #tpu.memory_space<hbm>>
    tpu.wait_dma2 semaphore(%arg8 : memref<!tpu.dma_semaphore, #tpu.memory_space<semaphore_mem>>) src(%arg4 : memref<64x768xf32, #tpu.memory_space<vmem>>) dst(%dma_wait3A_126 : memref<64x768xf32, #tpu.memory_space<hbm>>)
    %add3A_127 = arith.constant 384 : i32
    %add3A_128 = arith.addi %mul3A_2, %add3A_127 : i32
    %dma_start3A_129 = arith.constant 0 : i32
    %dma_start3A_130 = tpu.memref_slice %arg2[%add3A_128, %dma_start3A_129] : memref<32768x768xf32, #tpu.memory_space<hbm>> -> memref<64x768xf32, #tpu.memory_space<hbm>>
    %dma_start3A_131 = arith.constant 0 : i32
    %dma_start3A_132 = tpu.memref_slice %arg2[%add3A_128, %dma_start3A_131] : memref<32768x768xf32, #tpu.memory_space<hbm>> -> memref<64x768xf32, #tpu.memory_space<hbm>>
    tpu.enqueue_dma source(%dma_start3A_132 : memref<64x768xf32, #tpu.memory_space<hbm>>) target(%arg4 : memref<64x768xf32, #tpu.memory_space<vmem>>) target_semaphore(%arg6 : memref<!tpu.dma_semaphore, #tpu.memory_space<semaphore_mem>>)
    %add3A_133 = arith.constant 320 : i32
    %add3A_134 = arith.addi %mul3A_2, %add3A_133 : i32
    %dma_wait3A_135 = arith.constant 0 : i32
    %dma_wait3A_136 = tpu.memref_slice %arg2[%add3A_134, %dma_wait3A_135] : memref<32768x768xf32, #tpu.memory_space<hbm>> -> memref<64x768xf32, #tpu.memory_space<hbm>>
    %dma_wait3A_137 = arith.constant 0 : i32
    %dma_wait3A_138 = tpu.memref_slice %arg2[%add3A_134, %dma_wait3A_137] : memref<32768x768xf32, #tpu.memory_space<hbm>> -> memref<64x768xf32, #tpu.memory_space<hbm>>
    tpu.wait_dma2 semaphore(%arg7 : memref<!tpu.dma_semaphore, #tpu.memory_space<semaphore_mem>>) src(%dma_wait3A_138 : memref<64x768xf32, #tpu.memory_space<hbm>>) dst(%arg5 : memref<64x768xf32, #tpu.memory_space<vmem>>)
    %add3A_139 = arith.constant 320 : i32
    %add3A_140 = arith.addi %mul3A_2, %add3A_139 : i32
    %dma_start3A_141 = arith.constant 0 : i32
    %dma_start3A_142 = tpu.memref_slice %arg3[%add3A_140, %dma_start3A_141] : memref<32768x768xf32, #tpu.memory_space<hbm>> -> memref<64x768xf32, #tpu.memory_space<hbm>>
    %dma_start3A_143 = arith.constant 0 : i32
    %dma_start3A_144 = tpu.memref_slice %arg3[%add3A_140, %dma_start3A_143] : memref<32768x768xf32, #tpu.memory_space<hbm>> -> memref<64x768xf32, #tpu.memory_space<hbm>>
    tpu.enqueue_dma source(%arg5 : memref<64x768xf32, #tpu.memory_space<vmem>>) target(%dma_start3A_144 : memref<64x768xf32, #tpu.memory_space<hbm>>) target_semaphore(%arg9 : memref<!tpu.dma_semaphore, #tpu.memory_space<semaphore_mem>>)
    %add3A_145 = arith.constant 320 : i32
    %add3A_146 = arith.addi %mul3A_2, %add3A_145 : i32
    %dma_wait3A_147 = arith.constant 0 : i32
    %dma_wait3A_148 = tpu.memref_slice %arg3[%add3A_146, %dma_wait3A_147] : memref<32768x768xf32, #tpu.memory_space<hbm>> -> memref<64x768xf32, #tpu.memory_space<hbm>>
    %dma_wait3A_149 = arith.constant 0 : i32
    %dma_wait3A_150 = tpu.memref_slice %arg3[%add3A_146, %dma_wait3A_149] : memref<32768x768xf32, #tpu.memory_space<hbm>> -> memref<64x768xf32, #tpu.memory_space<hbm>>
    tpu.wait_dma2 semaphore(%arg9 : memref<!tpu.dma_semaphore, #tpu.memory_space<semaphore_mem>>) src(%arg5 : memref<64x768xf32, #tpu.memory_space<vmem>>) dst(%dma_wait3A_150 : memref<64x768xf32, #tpu.memory_space<hbm>>)
    %add3A_151 = arith.constant 448 : i32
    %add3A_152 = arith.addi %mul3A_2, %add3A_151 : i32
    %dma_start3A_153 = arith.constant 0 : i32
    %dma_start3A_154 = tpu.memref_slice %arg2[%add3A_152, %dma_start3A_153] : memref<32768x768xf32, #tpu.memory_space<hbm>> -> memref<64x768xf32, #tpu.memory_space<hbm>>
    %dma_start3A_155 = arith.constant 0 : i32
    %dma_start3A_156 = tpu.memref_slice %arg2[%add3A_152, %dma_start3A_155] : memref<32768x768xf32, #tpu.memory_space<hbm>> -> memref<64x768xf32, #tpu.memory_space<hbm>>
    tpu.enqueue_dma source(%dma_start3A_156 : memref<64x768xf32, #tpu.memory_space<hbm>>) target(%arg5 : memref<64x768xf32, #tpu.memory_space<vmem>>) target_semaphore(%arg7 : memref<!tpu.dma_semaphore, #tpu.memory_space<semaphore_mem>>)
    %add3A_157 = arith.constant 384 : i32
    %add3A_158 = arith.addi %mul3A_2, %add3A_157 : i32
    %dma_wait3A_159 = arith.constant 0 : i32
    %dma_wait3A_160 = tpu.memref_slice %arg2[%add3A_158, %dma_wait3A_159] : memref<32768x768xf32, #tpu.memory_space<hbm>> -> memref<64x768xf32, #tpu.memory_space<hbm>>
    %dma_wait3A_161 = arith.constant 0 : i32
    %dma_wait3A_162 = tpu.memref_slice %arg2[%add3A_158, %dma_wait3A_161] : memref<32768x768xf32, #tpu.memory_space<hbm>> -> memref<64x768xf32, #tpu.memory_space<hbm>>
    tpu.wait_dma2 semaphore(%arg6 : memref<!tpu.dma_semaphore, #tpu.memory_space<semaphore_mem>>) src(%dma_wait3A_162 : memref<64x768xf32, #tpu.memory_space<hbm>>) dst(%arg4 : memref<64x768xf32, #tpu.memory_space<vmem>>)
    %add3A_163 = arith.constant 384 : i32
    %add3A_164 = arith.addi %mul3A_2, %add3A_163 : i32
    %dma_start3A_165 = arith.constant 0 : i32
    %dma_start3A_166 = tpu.memref_slice %arg3[%add3A_164, %dma_start3A_165] : memref<32768x768xf32, #tpu.memory_space<hbm>> -> memref<64x768xf32, #tpu.memory_space<hbm>>
    %dma_start3A_167 = arith.constant 0 : i32
    %dma_start3A_168 = tpu.memref_slice %arg3[%add3A_164, %dma_start3A_167] : memref<32768x768xf32, #tpu.memory_space<hbm>> -> memref<64x768xf32, #tpu.memory_space<hbm>>
    tpu.enqueue_dma source(%arg4 : memref<64x768xf32, #tpu.memory_space<vmem>>) target(%dma_start3A_168 : memref<64x768xf32, #tpu.memory_space<hbm>>) target_semaphore(%arg8 : memref<!tpu.dma_semaphore, #tpu.memory_space<semaphore_mem>>)
    %add3A_169 = arith.constant 384 : i32
    %add3A_170 = arith.addi %mul3A_2, %add3A_169 : i32
    %dma_wait3A_171 = arith.constant 0 : i32
    %dma_wait3A_172 = tpu.memref_slice %arg3[%add3A_170, %dma_wait3A_171] : memref<32768x768xf32, #tpu.memory_space<hbm>> -> memref<64x768xf32, #tpu.memory_space<hbm>>
    %dma_wait3A_173 = arith.constant 0 : i32
    %dma_wait3A_174 = tpu.memref_slice %arg3[%add3A_170, %dma_wait3A_173] : memref<32768x768xf32, #tpu.memory_space<hbm>> -> memref<64x768xf32, #tpu.memory_space<hbm>>
    tpu.wait_dma2 semaphore(%arg8 : memref<!tpu.dma_semaphore, #tpu.memory_space<semaphore_mem>>) src(%arg4 : memref<64x768xf32, #tpu.memory_space<vmem>>) dst(%dma_wait3A_174 : memref<64x768xf32, #tpu.memory_space<hbm>>)
    %add3A_175 = arith.constant 512 : i32
    %add3A_176 = arith.addi %mul3A_2, %add3A_175 : i32
    %dma_start3A_177 = arith.constant 0 : i32
    %dma_start3A_178 = tpu.memref_slice %arg2[%add3A_176, %dma_start3A_177] : memref<32768x768xf32, #tpu.memory_space<hbm>> -> memref<64x768xf32, #tpu.memory_space<hbm>>
    %dma_start3A_179 = arith.constant 0 : i32
    %dma_start3A_180 = tpu.memref_slice %arg2[%add3A_176, %dma_start3A_179] : memref<32768x768xf32, #tpu.memory_space<hbm>> -> memref<64x768xf32, #tpu.memory_space<hbm>>
    tpu.enqueue_dma source(%dma_start3A_180 : memref<64x768xf32, #tpu.memory_space<hbm>>) target(%arg4 : memref<64x768xf32, #tpu.memory_space<vmem>>) target_semaphore(%arg6 : memref<!tpu.dma_semaphore, #tpu.memory_space<semaphore_mem>>)
    %add3A_181 = arith.constant 448 : i32
    %add3A_182 = arith.addi %mul3A_2, %add3A_181 : i32
    %dma_wait3A_183 = arith.constant 0 : i32
    %dma_wait3A_184 = tpu.memref_slice %arg2[%add3A_182, %dma_wait3A_183] : memref<32768x768xf32, #tpu.memory_space<hbm>> -> memref<64x768xf32, #tpu.memory_space<hbm>>
    %dma_wait3A_185 = arith.constant 0 : i32
    %dma_wait3A_186 = tpu.memref_slice %arg2[%add3A_182, %dma_wait3A_185] : memref<32768x768xf32, #tpu.memory_space<hbm>> -> memref<64x768xf32, #tpu.memory_space<hbm>>
    tpu.wait_dma2 semaphore(%arg7 : memref<!tpu.dma_semaphore, #tpu.memory_space<semaphore_mem>>) src(%dma_wait3A_186 : memref<64x768xf32, #tpu.memory_space<hbm>>) dst(%arg5 : memref<64x768xf32, #tpu.memory_space<vmem>>)
    %add3A_187 = arith.constant 448 : i32
    %add3A_188 = arith.addi %mul3A_2, %add3A_187 : i32
    %dma_start3A_189 = arith.constant 0 : i32
    %dma_start3A_190 = tpu.memref_slice %arg3[%add3A_188, %dma_start3A_189] : memref<32768x768xf32, #tpu.memory_space<hbm>> -> memref<64x768xf32, #tpu.memory_space<hbm>>
    %dma_start3A_191 = arith.constant 0 : i32
    %dma_start3A_192 = tpu.memref_slice %arg3[%add3A_188, %dma_start3A_191] : memref<32768x768xf32, #tpu.memory_space<hbm>> -> memref<64x768xf32, #tpu.memory_space<hbm>>
    tpu.enqueue_dma source(%arg5 : memref<64x768xf32, #tpu.memory_space<vmem>>) target(%dma_start3A_192 : memref<64x768xf32, #tpu.memory_space<hbm>>) target_semaphore(%arg9 : memref<!tpu.dma_semaphore, #tpu.memory_space<semaphore_mem>>)
    %add3A_193 = arith.constant 448 : i32
    %add3A_194 = arith.addi %mul3A_2, %add3A_193 : i32
    %dma_wait3A_195 = arith.constant 0 : i32
    %dma_wait3A_196 = tpu.memref_slice %arg3[%add3A_194, %dma_wait3A_195] : memref<32768x768xf32, #tpu.memory_space<hbm>> -> memref<64x768xf32, #tpu.memory_space<hbm>>
    %dma_wait3A_197 = arith.constant 0 : i32
    %dma_wait3A_198 = tpu.memref_slice %arg3[%add3A_194, %dma_wait3A_197] : memref<32768x768xf32, #tpu.memory_space<hbm>> -> memref<64x768xf32, #tpu.memory_space<hbm>>
    tpu.wait_dma2 semaphore(%arg9 : memref<!tpu.dma_semaphore, #tpu.memory_space<semaphore_mem>>) src(%arg5 : memref<64x768xf32, #tpu.memory_space<vmem>>) dst(%dma_wait3A_198 : memref<64x768xf32, #tpu.memory_space<hbm>>)
    %add3A_199 = arith.constant 576 : i32
    %add3A_200 = arith.addi %mul3A_2, %add3A_199 : i32
    %dma_start3A_201 = arith.constant 0 : i32
    %dma_start3A_202 = tpu.memref_slice %arg2[%add3A_200, %dma_start3A_201] : memref<32768x768xf32, #tpu.memory_space<hbm>> -> memref<64x768xf32, #tpu.memory_space<hbm>>
    %dma_start3A_203 = arith.constant 0 : i32
    %dma_start3A_204 = tpu.memref_slice %arg2[%add3A_200, %dma_start3A_203] : memref<32768x768xf32, #tpu.memory_space<hbm>> -> memref<64x768xf32, #tpu.memory_space<hbm>>
    tpu.enqueue_dma source(%dma_start3A_204 : memref<64x768xf32, #tpu.memory_space<hbm>>) target(%arg5 : memref<64x768xf32, #tpu.memory_space<vmem>>) target_semaphore(%arg7 : memref<!tpu.dma_semaphore, #tpu.memory_space<semaphore_mem>>)
    %add3A_205 = arith.constant 512 : i32
    %add3A_206 = arith.addi %mul3A_2, %add3A_205 : i32
    %dma_wait3A_207 = arith.constant 0 : i32
    %dma_wait3A_208 = tpu.memref_slice %arg2[%add3A_206, %dma_wait3A_207] : memref<32768x768xf32, #tpu.memory_space<hbm>> -> memref<64x768xf32, #tpu.memory_space<hbm>>
    %dma_wait3A_209 = arith.constant 0 : i32
    %dma_wait3A_210 = tpu.memref_slice %arg2[%add3A_206, %dma_wait3A_209] : memref<32768x768xf32, #tpu.memory_space<hbm>> -> memref<64x768xf32, #tpu.memory_space<hbm>>
    tpu.wait_dma2 semaphore(%arg6 : memref<!tpu.dma_semaphore, #tpu.memory_space<semaphore_mem>>) src(%dma_wait3A_210 : memref<64x768xf32, #tpu.memory_space<hbm>>) dst(%arg4 : memref<64x768xf32, #tpu.memory_space<vmem>>)
    %add3A_211 = arith.constant 512 : i32
    %add3A_212 = arith.addi %mul3A_2, %add3A_211 : i32
    %dma_start3A_213 = arith.constant 0 : i32
    %dma_start3A_214 = tpu.memref_slice %arg3[%add3A_212, %dma_start3A_213] : memref<32768x768xf32, #tpu.memory_space<hbm>> -> memref<64x768xf32, #tpu.memory_space<hbm>>
    %dma_start3A_215 = arith.constant 0 : i32
    %dma_start3A_216 = tpu.memref_slice %arg3[%add3A_212, %dma_start3A_215] : memref<32768x768xf32, #tpu.memory_space<hbm>> -> memref<64x768xf32, #tpu.memory_space<hbm>>
    tpu.enqueue_dma source(%arg4 : memref<64x768xf32, #tpu.memory_space<vmem>>) target(%dma_start3A_216 : memref<64x768xf32, #tpu.memory_space<hbm>>) target_semaphore(%arg8 : memref<!tpu.dma_semaphore, #tpu.memory_space<semaphore_mem>>)
    %add3A_217 = arith.constant 512 : i32
    %add3A_218 = arith.addi %mul3A_2, %add3A_217 : i32
    %dma_wait3A_219 = arith.constant 0 : i32
    %dma_wait3A_220 = tpu.memref_slice %arg3[%add3A_218, %dma_wait3A_219] : memref<32768x768xf32, #tpu.memory_space<hbm>> -> memref<64x768xf32, #tpu.memory_space<hbm>>
    %dma_wait3A_221 = arith.constant 0 : i32
    %dma_wait3A_222 = tpu.memref_slice %arg3[%add3A_218, %dma_wait3A_221] : memref<32768x768xf32, #tpu.memory_space<hbm>> -> memref<64x768xf32, #tpu.memory_space<hbm>>
    tpu.wait_dma2 semaphore(%arg8 : memref<!tpu.dma_semaphore, #tpu.memory_space<semaphore_mem>>) src(%arg4 : memref<64x768xf32, #tpu.memory_space<vmem>>) dst(%dma_wait3A_222 : memref<64x768xf32, #tpu.memory_space<hbm>>)
    %add3A_223 = arith.constant 640 : i32
    %add3A_224 = arith.addi %mul3A_2, %add3A_223 : i32
    %dma_start3A_225 = arith.constant 0 : i32
    %dma_start3A_226 = tpu.memref_slice %arg2[%add3A_224, %dma_start3A_225] : memref<32768x768xf32, #tpu.memory_space<hbm>> -> memref<64x768xf32, #tpu.memory_space<hbm>>
    %dma_start3A_227 = arith.constant 0 : i32
    %dma_start3A_228 = tpu.memref_slice %arg2[%add3A_224, %dma_start3A_227] : memref<32768x768xf32, #tpu.memory_space<hbm>> -> memref<64x768xf32, #tpu.memory_space<hbm>>
    tpu.enqueue_dma source(%dma_start3A_228 : memref<64x768xf32, #tpu.memory_space<hbm>>) target(%arg4 : memref<64x768xf32, #tpu.memory_space<vmem>>) target_semaphore(%arg6 : memref<!tpu.dma_semaphore, #tpu.memory_space<semaphore_mem>>)
    %add3A_229 = arith.constant 576 : i32
    %add3A_230 = arith.addi %mul3A_2, %add3A_229 : i32
    %dma_wait3A_231 = arith.constant 0 : i32
    %dma_wait3A_232 = tpu.memref_slice %arg2[%add3A_230, %dma_wait3A_231] : memref<32768x768xf32, #tpu.memory_space<hbm>> -> memref<64x768xf32, #tpu.memory_space<hbm>>
    %dma_wait3A_233 = arith.constant 0 : i32
    %dma_wait3A_234 = tpu.memref_slice %arg2[%add3A_230, %dma_wait3A_233] : memref<32768x768xf32, #tpu.memory_space<hbm>> -> memref<64x768xf32, #tpu.memory_space<hbm>>
    tpu.wait_dma2 semaphore(%arg7 : memref<!tpu.dma_semaphore, #tpu.memory_space<semaphore_mem>>) src(%dma_wait3A_234 : memref<64x768xf32, #tpu.memory_space<hbm>>) dst(%arg5 : memref<64x768xf32, #tpu.memory_space<vmem>>)
    %add3A_235 = arith.constant 576 : i32
    %add3A_236 = arith.addi %mul3A_2, %add3A_235 : i32
    %dma_start3A_237 = arith.constant 0 : i32
    %dma_start3A_238 = tpu.memref_slice %arg3[%add3A_236, %dma_start3A_237] : memref<32768x768xf32, #tpu.memory_space<hbm>> -> memref<64x768xf32, #tpu.memory_space<hbm>>
    %dma_start3A_239 = arith.constant 0 : i32
    %dma_start3A_240 = tpu.memref_slice %arg3[%add3A_236, %dma_start3A_239] : memref<32768x768xf32, #tpu.memory_space<hbm>> -> memref<64x768xf32, #tpu.memory_space<hbm>>
    tpu.enqueue_dma source(%arg5 : memref<64x768xf32, #tpu.memory_space<vmem>>) target(%dma_start3A_240 : memref<64x768xf32, #tpu.memory_space<hbm>>) target_semaphore(%arg9 : memref<!tpu.dma_semaphore, #tpu.memory_space<semaphore_mem>>)
    %add3A_241 = arith.constant 576 : i32
    %add3A_242 = arith.addi %mul3A_2, %add3A_241 : i32
    %dma_wait3A_243 = arith.constant 0 : i32
    %dma_wait3A_244 = tpu.memref_slice %arg3[%add3A_242, %dma_wait3A_243] : memref<32768x768xf32, #tpu.memory_space<hbm>> -> memref<64x768xf32, #tpu.memory_space<hbm>>
    %dma_wait3A_245 = arith.constant 0 : i32
    %dma_wait3A_246 = tpu.memref_slice %arg3[%add3A_242, %dma_wait3A_245] : memref<32768x768xf32, #tpu.memory_space<hbm>> -> memref<64x768xf32, #tpu.memory_space<hbm>>
    tpu.wait_dma2 semaphore(%arg9 : memref<!tpu.dma_semaphore, #tpu.memory_space<semaphore_mem>>) src(%arg5 : memref<64x768xf32, #tpu.memory_space<vmem>>) dst(%dma_wait3A_246 : memref<64x768xf32, #tpu.memory_space<hbm>>)
    %add3A_247 = arith.constant 704 : i32
    %add3A_248 = arith.addi %mul3A_2, %add3A_247 : i32
    %dma_start3A_249 = arith.constant 0 : i32
    %dma_start3A_250 = tpu.memref_slice %arg2[%add3A_248, %dma_start3A_249] : memref<32768x768xf32, #tpu.memory_space<hbm>> -> memref<64x768xf32, #tpu.memory_space<hbm>>
    %dma_start3A_251 = arith.constant 0 : i32
    %dma_start3A_252 = tpu.memref_slice %arg2[%add3A_248, %dma_start3A_251] : memref<32768x768xf32, #tpu.memory_space<hbm>> -> memref<64x768xf32, #tpu.memory_space<hbm>>
    tpu.enqueue_dma source(%dma_start3A_252 : memref<64x768xf32, #tpu.memory_space<hbm>>) target(%arg5 : memref<64x768xf32, #tpu.memory_space<vmem>>) target_semaphore(%arg7 : memref<!tpu.dma_semaphore, #tpu.memory_space<semaphore_mem>>)
    %add3A_253 = arith.constant 640 : i32
    %add3A_254 = arith.addi %mul3A_2, %add3A_253 : i32
    %dma_wait3A_255 = arith.constant 0 : i32
    %dma_wait3A_256 = tpu.memref_slice %arg2[%add3A_254, %dma_wait3A_255] : memref<32768x768xf32, #tpu.memory_space<hbm>> -> memref<64x768xf32, #tpu.memory_space<hbm>>
    %dma_wait3A_257 = arith.constant 0 : i32
    %dma_wait3A_258 = tpu.memref_slice %arg2[%add3A_254, %dma_wait3A_257] : memref<32768x768xf32, #tpu.memory_space<hbm>> -> memref<64x768xf32, #tpu.memory_space<hbm>>
    tpu.wait_dma2 semaphore(%arg6 : memref<!tpu.dma_semaphore, #tpu.memory_space<semaphore_mem>>) src(%dma_wait3A_258 : memref<64x768xf32, #tpu.memory_space<hbm>>) dst(%arg4 : memref<64x768xf32, #tpu.memory_space<vmem>>)
    %add3A_259 = arith.constant 640 : i32
    %add3A_260 = arith.addi %mul3A_2, %add3A_259 : i32
    %dma_start3A_261 = arith.constant 0 : i32
    %dma_start3A_262 = tpu.memref_slice %arg3[%add3A_260, %dma_start3A_261] : memref<32768x768xf32, #tpu.memory_space<hbm>> -> memref<64x768xf32, #tpu.memory_space<hbm>>
    %dma_start3A_263 = arith.constant 0 : i32
    %dma_start3A_264 = tpu.memref_slice %arg3[%add3A_260, %dma_start3A_263] : memref<32768x768xf32, #tpu.memory_space<hbm>> -> memref<64x768xf32, #tpu.memory_space<hbm>>
    tpu.enqueue_dma source(%arg4 : memref<64x768xf32, #tpu.memory_space<vmem>>) target(%dma_start3A_264 : memref<64x768xf32, #tpu.memory_space<hbm>>) target_semaphore(%arg8 : memref<!tpu.dma_semaphore, #tpu.memory_space<semaphore_mem>>)
    %add3A_265 = arith.constant 640 : i32
    %add3A_266 = arith.addi %mul3A_2, %add3A_265 : i32
    %dma_wait3A_267 = arith.constant 0 : i32
    %dma_wait3A_268 = tpu.memref_slice %arg3[%add3A_266, %dma_wait3A_267] : memref<32768x768xf32, #tpu.memory_space<hbm>> -> memref<64x768xf32, #tpu.memory_space<hbm>>
    %dma_wait3A_269 = arith.constant 0 : i32
    %dma_wait3A_270 = tpu.memref_slice %arg3[%add3A_266, %dma_wait3A_269] : memref<32768x768xf32, #tpu.memory_space<hbm>> -> memref<64x768xf32, #tpu.memory_space<hbm>>
    tpu.wait_dma2 semaphore(%arg8 : memref<!tpu.dma_semaphore, #tpu.memory_space<semaphore_mem>>) src(%arg4 : memref<64x768xf32, #tpu.memory_space<vmem>>) dst(%dma_wait3A_270 : memref<64x768xf32, #tpu.memory_space<hbm>>)
    %add3A_271 = arith.constant 768 : i32
    %add3A_272 = arith.addi %mul3A_2, %add3A_271 : i32
    %dma_start3A_273 = arith.constant 0 : i32
    %dma_start3A_274 = tpu.memref_slice %arg2[%add3A_272, %dma_start3A_273] : memref<32768x768xf32, #tpu.memory_space<hbm>> -> memref<64x768xf32, #tpu.memory_space<hbm>>
    %dma_start3A_275 = arith.constant 0 : i32
    %dma_start3A_276 = tpu.memref_slice %arg2[%add3A_272, %dma_start3A_275] : memref<32768x768xf32, #tpu.memory_space<hbm>> -> memref<64x768xf32, #tpu.memory_space<hbm>>
    tpu.enqueue_dma source(%dma_start3A_276 : memref<64x768xf32, #tpu.memory_space<hbm>>) target(%arg4 : memref<64x768xf32, #tpu.memory_space<vmem>>) target_semaphore(%arg6 : memref<!tpu.dma_semaphore, #tpu.memory_space<semaphore_mem>>)
    %add3A_277 = arith.constant 704 : i32
    %add3A_278 = arith.addi %mul3A_2, %add3A_277 : i32
    %dma_wait3A_279 = arith.constant 0 : i32
    %dma_wait3A_280 = tpu.memref_slice %arg2[%add3A_278, %dma_wait3A_279] : memref<32768x768xf32, #tpu.memory_space<hbm>> -> memref<64x768xf32, #tpu.memory_space<hbm>>
    %dma_wait3A_281 = arith.constant 0 : i32
    %dma_wait3A_282 = tpu.memref_slice %arg2[%add3A_278, %dma_wait3A_281] : memref<32768x768xf32, #tpu.memory_space<hbm>> -> memref<64x768xf32, #tpu.memory_space<hbm>>
    tpu.wait_dma2 semaphore(%arg7 : memref<!tpu.dma_semaphore, #tpu.memory_space<semaphore_mem>>) src(%dma_wait3A_282 : memref<64x768xf32, #tpu.memory_space<hbm>>) dst(%arg5 : memref<64x768xf32, #tpu.memory_space<vmem>>)
    %add3A_283 = arith.constant 704 : i32
    %add3A_284 = arith.addi %mul3A_2, %add3A_283 : i32
    %dma_start3A_285 = arith.constant 0 : i32
    %dma_start3A_286 = tpu.memref_slice %arg3[%add3A_284, %dma_start3A_285] : memref<32768x768xf32, #tpu.memory_space<hbm>> -> memref<64x768xf32, #tpu.memory_space<hbm>>
    %dma_start3A_287 = arith.constant 0 : i32
    %dma_start3A_288 = tpu.memref_slice %arg3[%add3A_284, %dma_start3A_287] : memref<32768x768xf32, #tpu.memory_space<hbm>> -> memref<64x768xf32, #tpu.memory_space<hbm>>
    tpu.enqueue_dma source(%arg5 : memref<64x768xf32, #tpu.memory_space<vmem>>) target(%dma_start3A_288 : memref<64x768xf32, #tpu.memory_space<hbm>>) target_semaphore(%arg9 : memref<!tpu.dma_semaphore, #tpu.memory_space<semaphore_mem>>)
    %add3A_289 = arith.constant 704 : i32
    %add3A_290 = arith.addi %mul3A_2, %add3A_289 : i32
    %dma_wait3A_291 = arith.constant 0 : i32
    %dma_wait3A_292 = tpu.memref_slice %arg3[%add3A_290, %dma_wait3A_291] : memref<32768x768xf32, #tpu.memory_space<hbm>> -> memref<64x768xf32, #tpu.memory_space<hbm>>
    %dma_wait3A_293 = arith.constant 0 : i32
    %dma_wait3A_294 = tpu.memref_slice %arg3[%add3A_290, %dma_wait3A_293] : memref<32768x768xf32, #tpu.memory_space<hbm>> -> memref<64x768xf32, #tpu.memory_space<hbm>>
    tpu.wait_dma2 semaphore(%arg9 : memref<!tpu.dma_semaphore, #tpu.memory_space<semaphore_mem>>) src(%arg5 : memref<64x768xf32, #tpu.memory_space<vmem>>) dst(%dma_wait3A_294 : memref<64x768xf32, #tpu.memory_space<hbm>>)
    %add3A_295 = arith.constant 832 : i32
    %add3A_296 = arith.addi %mul3A_2, %add3A_295 : i32
    %dma_start3A_297 = arith.constant 0 : i32
    %dma_start3A_298 = tpu.memref_slice %arg2[%add3A_296, %dma_start3A_297] : memref<32768x768xf32, #tpu.memory_space<hbm>> -> memref<64x768xf32, #tpu.memory_space<hbm>>
    %dma_start3A_299 = arith.constant 0 : i32
    %dma_start3A_300 = tpu.memref_slice %arg2[%add3A_296, %dma_start3A_299] : memref<32768x768xf32, #tpu.memory_space<hbm>> -> memref<64x768xf32, #tpu.memory_space<hbm>>
    tpu.enqueue_dma source(%dma_start3A_300 : memref<64x768xf32, #tpu.memory_space<hbm>>) target(%arg5 : memref<64x768xf32, #tpu.memory_space<vmem>>) target_semaphore(%arg7 : memref<!tpu.dma_semaphore, #tpu.memory_space<semaphore_mem>>)
    %add3A_301 = arith.constant 768 : i32
    %add3A_302 = arith.addi %mul3A_2, %add3A_301 : i32
    %dma_wait3A_303 = arith.constant 0 : i32
    %dma_wait3A_304 = tpu.memref_slice %arg2[%add3A_302, %dma_wait3A_303] : memref<32768x768xf32, #tpu.memory_space<hbm>> -> memref<64x768xf32, #tpu.memory_space<hbm>>
    %dma_wait3A_305 = arith.constant 0 : i32
    %dma_wait3A_306 = tpu.memref_slice %arg2[%add3A_302, %dma_wait3A_305] : memref<32768x768xf32, #tpu.memory_space<hbm>> -> memref<64x768xf32, #tpu.memory_space<hbm>>
    tpu.wait_dma2 semaphore(%arg6 : memref<!tpu.dma_semaphore, #tpu.memory_space<semaphore_mem>>) src(%dma_wait3A_306 : memref<64x768xf32, #tpu.memory_space<hbm>>) dst(%arg4 : memref<64x768xf32, #tpu.memory_space<vmem>>)
    %add3A_307 = arith.constant 768 : i32
    %add3A_308 = arith.addi %mul3A_2, %add3A_307 : i32
    %dma_start3A_309 = arith.constant 0 : i32
    %dma_start3A_310 = tpu.memref_slice %arg3[%add3A_308, %dma_start3A_309] : memref<32768x768xf32, #tpu.memory_space<hbm>> -> memref<64x768xf32, #tpu.memory_space<hbm>>
    %dma_start3A_311 = arith.constant 0 : i32
    %dma_start3A_312 = tpu.memref_slice %arg3[%add3A_308, %dma_start3A_311] : memref<32768x768xf32, #tpu.memory_space<hbm>> -> memref<64x768xf32, #tpu.memory_space<hbm>>
    tpu.enqueue_dma source(%arg4 : memref<64x768xf32, #tpu.memory_space<vmem>>) target(%dma_start3A_312 : memref<64x768xf32, #tpu.memory_space<hbm>>) target_semaphore(%arg8 : memref<!tpu.dma_semaphore, #tpu.memory_space<semaphore_mem>>)
    %add3A_313 = arith.constant 768 : i32
    %add3A_314 = arith.addi %mul3A_2, %add3A_313 : i32
    %dma_wait3A_315 = arith.constant 0 : i32
    %dma_wait3A_316 = tpu.memref_slice %arg3[%add3A_314, %dma_wait3A_315] : memref<32768x768xf32, #tpu.memory_space<hbm>> -> memref<64x768xf32, #tpu.memory_space<hbm>>
    %dma_wait3A_317 = arith.constant 0 : i32
    %dma_wait3A_318 = tpu.memref_slice %arg3[%add3A_314, %dma_wait3A_317] : memref<32768x768xf32, #tpu.memory_space<hbm>> -> memref<64x768xf32, #tpu.memory_space<hbm>>
    tpu.wait_dma2 semaphore(%arg8 : memref<!tpu.dma_semaphore, #tpu.memory_space<semaphore_mem>>) src(%arg4 : memref<64x768xf32, #tpu.memory_space<vmem>>) dst(%dma_wait3A_318 : memref<64x768xf32, #tpu.memory_space<hbm>>)
    %add3A_319 = arith.constant 896 : i32
    %add3A_320 = arith.addi %mul3A_2, %add3A_319 : i32
    %dma_start3A_321 = arith.constant 0 : i32
    %dma_start3A_322 = tpu.memref_slice %arg2[%add3A_320, %dma_start3A_321] : memref<32768x768xf32, #tpu.memory_space<hbm>> -> memref<64x768xf32, #tpu.memory_space<hbm>>
    %dma_start3A_323 = arith.constant 0 : i32
    %dma_start3A_324 = tpu.memref_slice %arg2[%add3A_320, %dma_start3A_323] : memref<32768x768xf32, #tpu.memory_space<hbm>> -> memref<64x768xf32, #tpu.memory_space<hbm>>
    tpu.enqueue_dma source(%dma_start3A_324 : memref<64x768xf32, #tpu.memory_space<hbm>>) target(%arg4 : memref<64x768xf32, #tpu.memory_space<vmem>>) target_semaphore(%arg6 : memref<!tpu.dma_semaphore, #tpu.memory_space<semaphore_mem>>)
    %add3A_325 = arith.constant 832 : i32
    %add3A_326 = arith.addi %mul3A_2, %add3A_325 : i32
    %dma_wait3A_327 = arith.constant 0 : i32
    %dma_wait3A_328 = tpu.memref_slice %arg2[%add3A_326, %dma_wait3A_327] : memref<32768x768xf32, #tpu.memory_space<hbm>> -> memref<64x768xf32, #tpu.memory_space<hbm>>
    %dma_wait3A_329 = arith.constant 0 : i32
    %dma_wait3A_330 = tpu.memref_slice %arg2[%add3A_326, %dma_wait3A_329] : memref<32768x768xf32, #tpu.memory_space<hbm>> -> memref<64x768xf32, #tpu.memory_space<hbm>>
    tpu.wait_dma2 semaphore(%arg7 : memref<!tpu.dma_semaphore, #tpu.memory_space<semaphore_mem>>) src(%dma_wait3A_330 : memref<64x768xf32, #tpu.memory_space<hbm>>) dst(%arg5 : memref<64x768xf32, #tpu.memory_space<vmem>>)
    %add3A_331 = arith.constant 832 : i32
    %add3A_332 = arith.addi %mul3A_2, %add3A_331 : i32
    %dma_start3A_333 = arith.constant 0 : i32
    %dma_start3A_334 = tpu.memref_slice %arg3[%add3A_332, %dma_start3A_333] : memref<32768x768xf32, #tpu.memory_space<hbm>> -> memref<64x768xf32, #tpu.memory_space<hbm>>
    %dma_start3A_335 = arith.constant 0 : i32
    %dma_start3A_336 = tpu.memref_slice %arg3[%add3A_332, %dma_start3A_335] : memref<32768x768xf32, #tpu.memory_space<hbm>> -> memref<64x768xf32, #tpu.memory_space<hbm>>
    tpu.enqueue_dma source(%arg5 : memref<64x768xf32, #tpu.memory_space<vmem>>) target(%dma_start3A_336 : memref<64x768xf32, #tpu.memory_space<hbm>>) target_semaphore(%arg9 : memref<!tpu.dma_semaphore, #tpu.memory_space<semaphore_mem>>)
    %add3A_337 = arith.constant 832 : i32
    %add3A_338 = arith.addi %mul3A_2, %add3A_337 : i32
    %dma_wait3A_339 = arith.constant 0 : i32
    %dma_wait3A_340 = tpu.memref_slice %arg3[%add3A_338, %dma_wait3A_339] : memref<32768x768xf32, #tpu.memory_space<hbm>> -> memref<64x768xf32, #tpu.memory_space<hbm>>
    %dma_wait3A_341 = arith.constant 0 : i32
    %dma_wait3A_342 = tpu.memref_slice %arg3[%add3A_338, %dma_wait3A_341] : memref<32768x768xf32, #tpu.memory_space<hbm>> -> memref<64x768xf32, #tpu.memory_space<hbm>>
    tpu.wait_dma2 semaphore(%arg9 : memref<!tpu.dma_semaphore, #tpu.memory_space<semaphore_mem>>) src(%arg5 : memref<64x768xf32, #tpu.memory_space<vmem>>) dst(%dma_wait3A_342 : memref<64x768xf32, #tpu.memory_space<hbm>>)
    %add3A_343 = arith.constant 960 : i32
    %add3A_344 = arith.addi %mul3A_2, %add3A_343 : i32
    %dma_start3A_345 = arith.constant 0 : i32
    %dma_start3A_346 = tpu.memref_slice %arg2[%add3A_344, %dma_start3A_345] : memref<32768x768xf32, #tpu.memory_space<hbm>> -> memref<64x768xf32, #tpu.memory_space<hbm>>
    %dma_start3A_347 = arith.constant 0 : i32
    %dma_start3A_348 = tpu.memref_slice %arg2[%add3A_344, %dma_start3A_347] : memref<32768x768xf32, #tpu.memory_space<hbm>> -> memref<64x768xf32, #tpu.memory_space<hbm>>
    tpu.enqueue_dma source(%dma_start3A_348 : memref<64x768xf32, #tpu.memory_space<hbm>>) target(%arg5 : memref<64x768xf32, #tpu.memory_space<vmem>>) target_semaphore(%arg7 : memref<!tpu.dma_semaphore, #tpu.memory_space<semaphore_mem>>)
    %add3A_349 = arith.constant 896 : i32
    %add3A_350 = arith.addi %mul3A_2, %add3A_349 : i32
    %dma_wait3A_351 = arith.constant 0 : i32
    %dma_wait3A_352 = tpu.memref_slice %arg2[%add3A_350, %dma_wait3A_351] : memref<32768x768xf32, #tpu.memory_space<hbm>> -> memref<64x768xf32, #tpu.memory_space<hbm>>
    %dma_wait3A_353 = arith.constant 0 : i32
    %dma_wait3A_354 = tpu.memref_slice %arg2[%add3A_350, %dma_wait3A_353] : memref<32768x768xf32, #tpu.memory_space<hbm>> -> memref<64x768xf32, #tpu.memory_space<hbm>>
    tpu.wait_dma2 semaphore(%arg6 : memref<!tpu.dma_semaphore, #tpu.memory_space<semaphore_mem>>) src(%dma_wait3A_354 : memref<64x768xf32, #tpu.memory_space<hbm>>) dst(%arg4 : memref<64x768xf32, #tpu.memory_space<vmem>>)
    %add3A_355 = arith.constant 896 : i32
    %add3A_356 = arith.addi %mul3A_2, %add3A_355 : i32
    %dma_start3A_357 = arith.constant 0 : i32
    %dma_start3A_358 = tpu.memref_slice %arg3[%add3A_356, %dma_start3A_357] : memref<32768x768xf32, #tpu.memory_space<hbm>> -> memref<64x768xf32, #tpu.memory_space<hbm>>
    %dma_start3A_359 = arith.constant 0 : i32
    %dma_start3A_360 = tpu.memref_slice %arg3[%add3A_356, %dma_start3A_359] : memref<32768x768xf32, #tpu.memory_space<hbm>> -> memref<64x768xf32, #tpu.memory_space<hbm>>
    tpu.enqueue_dma source(%arg4 : memref<64x768xf32, #tpu.memory_space<vmem>>) target(%dma_start3A_360 : memref<64x768xf32, #tpu.memory_space<hbm>>) target_semaphore(%arg8 : memref<!tpu.dma_semaphore, #tpu.memory_space<semaphore_mem>>)
    %add3A_361 = arith.constant 960 : i32
    %add3A_362 = arith.addi %mul3A_2, %add3A_361 : i32
    %dma_wait3A_363 = arith.constant 0 : i32
    %dma_wait3A_364 = tpu.memref_slice %arg2[%add3A_362, %dma_wait3A_363] : memref<32768x768xf32, #tpu.memory_space<hbm>> -> memref<64x768xf32, #tpu.memory_space<hbm>>
    %dma_wait3A_365 = arith.constant 0 : i32
    %dma_wait3A_366 = tpu.memref_slice %arg2[%add3A_362, %dma_wait3A_365] : memref<32768x768xf32, #tpu.memory_space<hbm>> -> memref<64x768xf32, #tpu.memory_space<hbm>>
    tpu.wait_dma2 semaphore(%arg7 : memref<!tpu.dma_semaphore, #tpu.memory_space<semaphore_mem>>) src(%dma_wait3A_366 : memref<64x768xf32, #tpu.memory_space<hbm>>) dst(%arg5 : memref<64x768xf32, #tpu.memory_space<vmem>>)
    %add3A_367 = arith.constant 960 : i32
    %add3A_368 = arith.addi %mul3A_2, %add3A_367 : i32
    %dma_start3A_369 = arith.constant 0 : i32
    %dma_start3A_370 = tpu.memref_slice %arg3[%add3A_368, %dma_start3A_369] : memref<32768x768xf32, #tpu.memory_space<hbm>> -> memref<64x768xf32, #tpu.memory_space<hbm>>
    %dma_start3A_371 = arith.constant 0 : i32
    %dma_start3A_372 = tpu.memref_slice %arg3[%add3A_368, %dma_start3A_371] : memref<32768x768xf32, #tpu.memory_space<hbm>> -> memref<64x768xf32, #tpu.memory_space<hbm>>
    tpu.enqueue_dma source(%arg5 : memref<64x768xf32, #tpu.memory_space<vmem>>) target(%dma_start3A_372 : memref<64x768xf32, #tpu.memory_space<hbm>>) target_semaphore(%arg9 : memref<!tpu.dma_semaphore, #tpu.memory_space<semaphore_mem>>)
    %add3A_373 = arith.constant 896 : i32
    %add3A_374 = arith.addi %mul3A_2, %add3A_373 : i32
    %dma_wait3A_375 = arith.constant 0 : i32
    %dma_wait3A_376 = tpu.memref_slice %arg3[%add3A_374, %dma_wait3A_375] : memref<32768x768xf32, #tpu.memory_space<hbm>> -> memref<64x768xf32, #tpu.memory_space<hbm>>
    %dma_wait3A_377 = arith.constant 0 : i32
    %dma_wait3A_378 = tpu.memref_slice %arg3[%add3A_374, %dma_wait3A_377] : memref<32768x768xf32, #tpu.memory_space<hbm>> -> memref<64x768xf32, #tpu.memory_space<hbm>>
    tpu.wait_dma2 semaphore(%arg8 : memref<!tpu.dma_semaphore, #tpu.memory_space<semaphore_mem>>) src(%arg4 : memref<64x768xf32, #tpu.memory_space<vmem>>) dst(%dma_wait3A_378 : memref<64x768xf32, #tpu.memory_space<hbm>>)
    %add3A_379 = arith.constant 960 : i32
    %add3A_380 = arith.addi %mul3A_2, %add3A_379 : i32
    %dma_wait3A_381 = arith.constant 0 : i32
    %dma_wait3A_382 = tpu.memref_slice %arg3[%add3A_380, %dma_wait3A_381] : memref<32768x768xf32, #tpu.memory_space<hbm>> -> memref<64x768xf32, #tpu.memory_space<hbm>>
    %dma_wait3A_383 = arith.constant 0 : i32
    %dma_wait3A_384 = tpu.memref_slice %arg3[%add3A_380, %dma_wait3A_383] : memref<32768x768xf32, #tpu.memory_space<hbm>> -> memref<64x768xf32, #tpu.memory_space<hbm>>
    tpu.wait_dma2 semaphore(%arg9 : memref<!tpu.dma_semaphore, #tpu.memory_space<semaphore_mem>>) src(%arg5 : memref<64x768xf32, #tpu.memory_space<vmem>>) dst(%dma_wait3A_384 : memref<64x768xf32, #tpu.memory_space<hbm>>)
    return
  }
}

</mosaic_0001>

<sc_bundles>
// kernel: kernel.3.cloned.1.call-start
scs
__scs_entry_jumppad:
0x0: {  	(pc) =	sbr.rel $0x88, $3  }
0x1: {  	(tag) =	ssettag $0x0;
	lr =	simm.s32 $0x1  }
0x2: {  	[smem:$0x3FA0] =	sst lr;
	_ =	strace $0xD0000000  }
0x3: {  	_ = 	snop  }
0x4: {  	_ = 	snop  }
0x5: {  	_ = 	snop  }
0x6: {  	_ = 	snop  }
0x7: {  	_ = 	snop  }
__scs_overlays_trampoline_lowered:
0x8: {  	[smem:$0x3FAF] =	sst s0  }
0x9: {  	[smem:$0x3FB0] =	sst s1  }
0xa: {  	[smem:$0x3FB1] =	sst s2  }
0xb: {  	[smem:$0x3FB2] =	sst s3  }
0xc: {  	[smem:$0x3FB3] =	sst s4  }
0xd: {  	[smem:$0x3FB4] =	sst s5  }
0xe: {  	[smem:$0x3FB5] =	sst s6  }
0xf: {  	[smem:$0x3FB6] =	sst s7  }
0x10: {  	[smem:$0x3FB7] =	sst s8  }
0x11: {  	[smem:$0x3FB8] =	sst s9;
	s0 =	simm.s32 @!p0 $0x0  }
0x12: {  	s1 =	sld [smem:$0x3F9E];
	s0 =	simm.s32 @p0 $0x1  }
0x13: {  	[smem:$0x3FB9] =	sst s0;
	s0 =	simm.s32 @!p1 $0x0  }
0x14: {  	s2 =	sld [smem:$0x3F9D];
	s0 =	simm.s32 @p1 $0x1  }
0x15: {  	[smem:$0x3FBA] =	sst s0;
	s0 =	simm.s32 @!p2 $0x0  }
0x16: {  	s3 =	sld [smem:$0x3FDB];
	s0 =	simm.s32 @p2 $0x1  }
0x17: {  	s4 =	simm.s32 $0x1BF5;
	[smem:$0x3FBC] =	sst s0  }
0x18: {  	s0 =	sld [smem:$0x3F9F];
	_ =	swait.ge [sflag:s4], $0x0  }
0x19: {  	s7 =	sld [smem:$0x3FA0]  }
0x1a: {  	s8 =	sadd.s32 $0xFFFFE003, lr  }
0x1b: {  	s9 =	sadd.s32 $0xFFFFFEF7, lr;
	s5 =	simm.s32 $0xFFFFFFFF;
	p2 =	slt.u32 s8, $0xFFFFF086  }
0x1c: {  	p1 =	slt.u32 s9, $0xF7A;
	s5 =	simm.s32 @!p2 $0x0  }
0x1d: {  	s5 =	simm.s32 @p1 $0x1;
	p0 =	seq.s32 s7, s2  }
0x1e: {  	s7 =	smul.u32 @!p0 $0xF7A, s2;
	p2 =	seq.s32 @!p0 s5, $0x0  }
0x1f: {  	s9 =	smul.u32 $0xF7A, s1;
	s8 =	simm.s32 @!p0 $0x1BF5;
	p2 =	por !p2, p0  }
0x20: {  	[sflag:s8] =	ssyncset.s32 @!p0 $0xFFFFF086;
	s6 =	sadd.s32 @!p0 s3, s7;
	s7 =	simm.s32 @!p0 $0x108  }
0x21: {  	s3 =	sadd.s32 s3, s9;
	s6 =	sadd.s32 @!p0 $0x88, s6;
	s7 =	simm.s32 @p2 $0x1082  }
0x22: {  	[simem:s7], [sflag:s8] =	dma.local @!p0 [hbm:s6], $0xF7A  }
0x23: {  	s9 =	sor.u32 $0xD0000000, s2;
	s6 =	simm.s32 $0x108;
	_ =	swait.ge @!p0 [sflag:s8], $0x0  }
0x24: {  	s3 =	sadd.s32 $0x88, s3;
	s6 =	simm.s32 @!p1 $0x1082;
	[sflag:s4] =	ssyncset.s32 $0xFFFFF086  }
0x25: {  	[simem:s6], [sflag:s4] =	dma.local [hbm:s3], $0xF7A  }
0x26: {  	[smem:$0x3FA0] =	sst s1;
	(tag) =	ssettag s2;
	_ =	strace s9  }
0x27: {  	s1 =	sld [smem:$0x3FB0]  }
0x28: {  	s2 =	sld [smem:$0x3FB1]  }
0x29: {  	s4 =	sld [smem:$0x3FB3]  }
0x2a: {  	p0 =	seq.s32 s5, $0x0;
	s5 =	sld [smem:$0x3FB4]  }
0x2b: {  	s6 =	sld [smem:$0x3FB5]  }
0x2c: {  	s7 =	sld [smem:$0x3FB6]  }
0x2d: {  	s3 =	simm.s32 $0x108;
	s8 =	sld [smem:$0x3FB7]  }
0x2e: {  	s3 =	simm.s32 @!p0 $0x1082;
	s9 =	sld [smem:$0x3FB8]  }
0x2f: {  	lr =	sadd.s32 s0, s3;
	s0 =	sld [smem:$0x3FAF]  }
0x30: {  	s3 =	sld [smem:$0x3FB2]  }
0x31: {  	[smem:$0x3FBB] =	sst s10  }
0x32: {  	s10 =	sld [smem:$0x3FB9];
	_ =	sdelay $0x3  }
0x33: {  	p0 =	seq.s32 s10, $0x1;
	s10 =	sld [smem:$0x3FBB];
	_ =	sdelay $0x3  }
0x34: {  	[smem:$0x3FBB] =	sst s10  }
0x35: {  	s10 =	sld [smem:$0x3FBA];
	_ =	sdelay $0x3  }
0x36: {  	p1 =	seq.s32 s10, $0x1;
	s10 =	sld [smem:$0x3FBB];
	_ =	sdelay $0x3  }
0x37: {  	[smem:$0x3FBB] =	sst s10  }
0x38: {  	s10 =	sld [smem:$0x3FBC]  }
0x39: {  	_ = 	snop;
	(pc) =	sbr.ind lr, $3  }
0x3a: {  	_ = 	snop  }
0x3b: {  	_ = 	snop  }
0x3c: {  	p2 =	seq.s32 s10, $0x1;
	s10 =	sld [smem:$0x3FBB]  }
0x3d: {  	_ =	shalt  }
0x3e: {  	_ =	shalt  }
0x3f: {  	_ =	shalt  }
0x40: {  	_ =	shalt  }
0x41: {  	_ =	shalt  }
0x42: {  	_ =	shalt  }
0x43: {  	_ =	shalt  }
0x44: {  	_ =	shalt  }
0x45: {  	_ =	shalt  }
0x46: {  	_ =	shalt  }
0x47: {  	_ =	shalt  }
0x48: {  	_ =	shalt  }
0x49: {  	_ =	shalt  }
0x4a: {  	_ =	shalt  }
0x4b: {  	_ =	shalt  }
0x4c: {  	_ =	shalt  }
0x4d: {  	_ =	shalt  }
0x4e: {  	_ =	shalt  }
0x4f: {  	_ =	shalt  }
0x50: {  	_ =	shalt  }
0x51: {  	_ =	shalt  }
0x52: {  	_ =	shalt  }
0x53: {  	_ =	shalt  }
0x54: {  	_ =	shalt  }
0x55: {  	_ =	shalt  }
0x56: {  	_ =	shalt  }
0x57: {  	_ =	shalt  }
0x58: {  	_ =	shalt  }
0x59: {  	_ =	shalt  }
0x5a: {  	_ =	shalt  }
0x5b: {  	_ =	shalt  }
0x5c: {  	_ =	shalt  }
0x5d: {  	_ =	shalt  }
0x5e: {  	_ =	shalt  }
0x5f: {  	_ =	shalt  }
0x60: {  	_ =	shalt  }
0x61: {  	_ =	shalt  }
0x62: {  	_ =	shalt  }
0x63: {  	_ =	shalt  }
0x64: {  	_ =	shalt  }
0x65: {  	_ =	shalt  }
0x66: {  	_ =	shalt  }
0x67: {  	_ =	shalt  }
0x68: {  	_ =	shalt  }
0x69: {  	_ =	shalt  }
0x6a: {  	_ =	shalt  }
0x6b: {  	_ =	shalt  }
0x6c: {  	_ =	shalt  }
0x6d: {  	_ =	shalt  }
0x6e: {  	_ =	shalt  }
0x6f: {  	_ =	shalt  }
0x70: {  	_ =	shalt  }
0x71: {  	_ =	shalt  }
0x72: {  	_ =	shalt  }
0x73: {  	_ =	shalt  }
0x74: {  	_ =	shalt  }
0x75: {  	_ =	shalt  }
0x76: {  	_ =	shalt  }
0x77: {  	_ =	shalt  }
0x78: {  	_ =	shalt  }
0x79: {  	_ =	shalt  }
0x7a: {  	_ =	shalt  }
0x7b: {  	_ =	shalt  }
0x7c: {  	_ =	shalt  }
0x7d: {  	_ =	shalt  }
0x7e: {  	_ =	shalt  }
0x7f: {  	_ =	shalt  }
0x80: {  	_ =	shalt  }
0x81: {  	_ =	shalt  }
0x82: {  	_ =	shalt  }
0x83: {  	_ =	shalt  }
0x84: {  	_ =	shalt  }
0x85: {  	_ =	shalt  }
0x86: {  	_ =	shalt  }
0x87: {  	_ =	shalt  }
.Lfunc_end0:
.L_simem_size_0:
called_computation_lowered:
.L_overlay_start_0:
0x88: {  	s2 =	sld [smem:$0x3FD9]  }
0x89: {  	s3 =	sld [smem:$0x3FFE];
	_ =	sdelay $0x1  }
0x8a: {  	s1 =	srdreg.scid  }
0x8b: {  	s0 =	sand.u32 $0x1, s1  }
0x8c: {  	s18 =	sshll.u32 s0, $0xA;
	s2 =	sadd.s32 s3, s2  }
0x8d: {  	s2 =	sadd.s32 s2, s18  }
0x8e: {  	[smem:$0x3FC7] =	sst s2  }
0x8f: {  	_ = 	snop  }
0x90: {  	s2 =	sld [smem:$0x3FC9]  }
0x91: {  	s19 =	sld [smem:$0x3FD0];
	(tm) =	ssettm $0x1  }
0x92: {  	s4 =	sld [smem:$0x3FFB];
	_ =	sdelay $0x3  }
0x93: {  	_ =	strace s4  }
0x94: {  	s4 =	sld [smem:$0x3FFC];
	_ =	sdelay $0x3  }
0x95: {  	_ =	strace s4  }
0x96: {  	s4 =	sld [smem:$0x3FFD];
	_ =	sdelay $0x3  }
0x97: {  	_ =	strace s4  }
0x98: {  	_ =	strace $0x8FFFFFFF  }
0x99: {  	s20 =	sld [smem:$0x3FDB];
	_ =	sdelay $0x1  }
0x9a: {  	s5 =	simm.s32 $_scs_section_size  }
0x9b: {  	s6 =	simm.s32 $_size__tile_overlayer_lowered;
	s7 =	simm.s32 $_tile_overlayer_lowered  }
0x9c: {  	s23 =	simm.s32 $0x1BFF;
	s22 =	sshll.u32 s7, $0x1;
	s4 =	sadd.s32 s5, s20  }
0x9d: {  	s8 =	simm.s32 $0x0;
	s21 =	sshll.u32 s6, $0x1;
	s6 =	sadd.s32 s22, s4  }
0x9e: {  	[timem:s8], [sflag:s23] =	dma.local [hbm:s6], s21  }
0x9f: {  	_ =	swait.ge [sflag:s23], s21  }
0xa0: {  	s5 =	ssub.s32 $0x0, s21;
	[sflag:s23] =	ssyncset.done $0x0  }
0xa1: {  	[sflag:s23] =	ssyncadd.s32 s5;
	_ =	sdelay $0x1  }
0xa2: {  	s24 =	simm.s32 $0x1B8B  }
0xa3: {  	_ =	swait.ge [sflag:s24], $0x1  }
0xa4: {  	[sflag:s24] =	ssyncset.done $0x0  }
0xa5: {  	s25 =	simm.s32 $0x1B8E;
	[sflag:s24] =	ssyncadd.s32 $0xFFFFFFFF  }
0xa6: {  	s26 =	simm.s32 $execute0_lowered;
	[smem:$0x3FD2] =	sst s25  }
0xa7: {  	s5 =	sshll.u32 s26, $0x1;
	_ =	strace $0x80000046;
	[dreg:$0x1] =	wrdreg $0xFFFFFFFF  }
0xa8: {  	s28 =	simm.s32 $_size_execute0_lowered;
	s4 =	sadd.s32 s4, s5;
	[dreg:$0x0] =	wrdreg $0x0  }
0xa9: {  	s5 =	sshll.u32 s28, $0x1;
	[dreg:$0x2] =	wrdreg s4  }
0xaa: {  	[dreg:$0x3] =	wrdreg s5  }
0xab: {  	[dreg:$0x4] =	wrdreg $0xC0  }
0xac: {  	_ =	task [dreg:s8], $0x5FFFF  }
0xad: {  	[dreg:$0x1] =	wrdreg $0xFFFFFFFF  }
0xae: {  	[dreg:$0x0] =	wrdreg $0x60  }
0xaf: {  	[dreg:$0x2] =	wrdreg s2  }
0xb0: {  	[dreg:$0x3] =	wrdreg s19  }
0xb1: {  	[dreg:$0x4] =	wrdreg $0x9  }
0xb2: {  	_ =	task.clear_ibuf [dreg:s8], $0x5FFFF;
	_ =	strace $0x90000046  }
0xb3: {  	s29 =	simm.s32 $0x9;
	_ =	strace $0x80000048  }
0xb4: {  	_ =	swait.ge [sflag:s29], $0x1  }
0xb5: {  	[sflag:s29] =	ssyncadd.s32 $0xFFFFFFFF  }
0xb6: {  	_ =	strace $0x90000048  }
0xb7: {  	_ =	sfence  }
0xb8: {  	s30 =	sld [smem:$0x0];
	_ =	sdelay $0x2  }
0xb9: {  	s31 =	sshll.u32 s1, $0xD;
	s1 =	sshrl.u32 s1, $0x2  }
0xba: {  	s3 =	sand.u32 $0x4000, s31;
	s1 =	sadd.s32 s1, s30  }
0xbb: {  	s0 =	sor.u32 s3, s0;
	s1 =	sshll.u32 s1, $0x11  }
0xbc: {  	s0 =	sor.u32 s1, s0  }
0xbd: {  	s0 =	sadd.s32 $0x8F2B, s0  }
0xbe: {  	[sflag:s0] =	ssyncadd.remote.s32 $0x1  }
0xbf: {  	_ =	sfence.sel $0xFFFF  }
0xc0: {  	[dreg:$0x0] =	wrdreg $0xFFFFFFFF;
	(pc) =	sbr.abs _section_cstart, $3  }
0xc1: {  	[dreg:$0x1] =	wrdreg $0xFFFFFFFF  }
0xc2: {  	_ =	task.clear_ibuf [dreg:s8], $0x2FFFF;
	_ =	strace $0x9FFFFFFF  }
0xc3: {  	(tm) =	ssettm $0x7FFFFFFF  }
tec
execute0_lowered:
.L_overlay_start_1:
0x0: {  	(tag) =	ssettag $0x1  }
0x1: {  	s1 =	srdreg.scid  }
0x2: {  	s0 =	stileid.u32;
	s1 =	sand.u32 $0x1, s1  }
0x3: {  	s2 =	sshll.u32 s0, $0x8;
	s3 =	sshll.u32 s1, $0x7  }
0x4: {  	s29 =	rddreg [dreg:$0x0];
	s10 =	sor.u32 s3, s2  }
0x5: {  	[dreg:$0xd] =	wrdreg s1;
	s2 =	simm.s32 $0x0;
	s8 =	smul.u32 $0x300, s10  }
0x6: {  	[smem:$0x7FF] =	sst s2  }
0x7: {  	s31 =	rddreg [dreg:$0x1];
	_ =	strace $0x80000047;
	s6 =	sadd.s32 s29, s8  }
0x8: {  	s4 =	sor.u32 $0x1800, s8;
	s9 =	sadd.s32 s31, s8;
	[dreg:$0x3] =	wrdreg s6  }
0x9: {  	s5 =	sor.u32 $0x3000, s8;
	s7 =	sadd.s32 s29, s4;
	[dreg:$0x5] =	wrdreg s9  }
0xa: {  	s11 =	sadd.s32 s29, s5;
	[dreg:$0x4] =	wrdreg s7  }
0xb: {  	s13 =	sor.u32 $0x4800, s8;
	s12 =	sadd.s32 s31, s4;
	[dreg:$0x6] =	wrdreg s11  }
0xc: {  	s14 =	sadd.s32 s29, s13;
	[dreg:$0x7] =	wrdreg s12  }
0xd: {  	s15 =	sadd.s32 s31, s5;
	[dreg:$0x8] =	wrdreg s14  }
0xe: {  	s16 =	sor.u32 $0x6000, s8;
	[dreg:$0x9] =	wrdreg s15  }
0xf: {  	s17 =	sadd.s32 s29, s16;
	s18 =	rddreg [dreg:$0x3]  }
0x10: {  	s19 =	sadd.s32 s31, s13;
	[dreg:$0xa] =	wrdreg s17  }
0x11: {  	[dreg:$0xb] =	wrdreg s19  }
0x12: {  	[tilespmem:s2], [sflag:$0x1] =	stream.linear.gather [hbm4b:s18+s2], $0xC000, $0x38;
	[tilespmem:$0x18000] =	vst v63  }
0x13: {  	s3 =	simm.s32 $0xC000;
	s4 =	simm.s32 $0x1;
	s6 =	rddreg [dreg:$0x4]  }
0x14: {  	[tilespmem:s3], [sflag:$0x2] =	stream.linear.gather [hbm4b:s6+s2], $0xC000, $0x38;
	[tilespmem:$0x18000] =	vst v63  }
0x15: {  	_ =	swait.ge [sflag:s4], $0xC000  }
0x16: {  	[sflag:s4] =	ssyncset.done $0x0  }
0x17: {  	s5 =	simm.s32 $0x3;
	s20 =	rddreg [dreg:$0x5];
	[sflag:s4] =	ssyncadd.s32 $0xFFFF4000  }
0x18: {  	[hbm4b:s20+s2] =	stream.linear.scatter [tilespmem:s2], [sflag:$0x3], $0xC000, $0x38;
	[tilespmem:$0x18000] =	vst v63  }
0x19: {  	_ =	swait.ge [sflag:s5], $0xC000  }
0x1a: {  	[sflag:s5] =	ssyncset.done $0x0  }
0x1b: {  	s6 =	simm.s32 $0x2;
	s7 =	rddreg [dreg:$0x6];
	[sflag:s5] =	ssyncadd.s32 $0xFFFF4000  }
0x1c: {  	[tilespmem:s2], [sflag:$0x1] =	stream.linear.gather [hbm4b:s7+s2], $0xC000, $0x38;
	[tilespmem:$0x18000] =	vst v63  }
0x1d: {  	_ =	swait.ge [sflag:s6], $0xC000  }
0x1e: {  	[sflag:s6] =	ssyncset.done $0x0  }
0x1f: {  	s7 =	simm.s32 $0x4;
	s11 =	rddreg [dreg:$0x7];
	[sflag:s6] =	ssyncadd.s32 $0xFFFF4000  }
0x20: {  	[hbm4b:s11+s2] =	stream.linear.scatter [tilespmem:s3], [sflag:$0x4], $0xC000, $0x38;
	[tilespmem:$0x18000] =	vst v63  }
0x21: {  	_ =	swait.ge [sflag:s7], $0xC000  }
0x22: {  	[sflag:s7] =	ssyncset.done $0x0  }
0x23: {  	s21 =	rddreg [dreg:$0x8];
	[sflag:s7] =	ssyncadd.s32 $0xFFFF4000  }
0x24: {  	[tilespmem:s3], [sflag:$0x2] =	stream.linear.gather [hbm4b:s21+s2], $0xC000, $0x38;
	[tilespmem:$0x18000] =	vst v63  }
0x25: {  	_ =	swait.ge [sflag:s4], $0xC000  }
0x26: {  	[sflag:s4] =	ssyncset.done $0x0  }
0x27: {  	s22 =	rddreg [dreg:$0x9];
	[sflag:s4] =	ssyncadd.s32 $0xFFFF4000  }
0x28: {  	[hbm4b:s22+s2] =	stream.linear.scatter [tilespmem:s2], [sflag:$0x3], $0xC000, $0x38;
	[tilespmem:$0x18000] =	vst v63  }
0x29: {  	_ =	swait.ge [sflag:s5], $0xC000  }
0x2a: {  	[sflag:s5] =	ssyncset.done $0x0  }
0x2b: {  	s23 =	rddreg [dreg:$0xa];
	[sflag:s5] =	ssyncadd.s32 $0xFFFF4000  }
0x2c: {  	[tilespmem:s2], [sflag:$0x1] =	stream.linear.gather [hbm4b:s23+s2], $0xC000, $0x38;
	[tilespmem:$0x18000] =	vst v63  }
0x2d: {  	_ =	swait.ge [sflag:s6], $0xC000  }
0x2e: {  	[sflag:s6] =	ssyncset.done $0x0  }
0x2f: {  	s24 =	rddreg [dreg:$0xb];
	[sflag:s6] =	ssyncadd.s32 $0xFFFF4000  }
0x30: {  	[hbm4b:s24+s2] =	stream.linear.scatter [tilespmem:s3], [sflag:$0x4], $0xC000, $0x38;
	[tilespmem:$0x18000] =	vst v63  }
0x31: {  	s25 =	sor.u32 $0x7800, s8;
	_ =	swait.ge [sflag:s7], $0xC000  }
0x32: {  	s26 =	sadd.s32 s29, s25;
	[sflag:s7] =	ssyncset.done $0x0  }
0x33: {  	[dreg:$0xc] =	wrdreg s26;
	[sflag:s7] =	ssyncadd.s32 $0xFFFF4000  }
0x34: {  	[tilespmem:s3], [sflag:$0x2] =	stream.linear.gather [hbm4b:s26+s2], $0xC000, $0x38;
	[tilespmem:$0x18000] =	vst v63  }
0x35: {  	_ =	swait.ge [sflag:s4], $0xC000  }
0x36: {  	[sflag:s4] =	ssyncset.done $0x0  }
0x37: {  	s10 =	smul.u32 $0x1800, s10;
	s0 =	sadd.s32 s31, s16;
	[sflag:s4] =	ssyncadd.s32 $0xFFFF4000  }
0x38: {  	[hbm4b:s0+s2] =	stream.linear.scatter [tilespmem:s2], [sflag:$0x3], $0xC000, $0x38;
	[tilespmem:$0x18000] =	vst v63  }
0x39: {  	s30 =	sshrl.u32 s10, $0x3;
	_ =	swait.ge [sflag:s5], $0xC000  }
0x3a: {  	s13 =	sadd.s32 $0x9000, s30;
	[sflag:s5] =	ssyncset.done $0x0  }
0x3b: {  	s10 =	sadd.s32 s29, s13;
	[sflag:s5] =	ssyncadd.s32 $0xFFFF4000  }
0x3c: {  	[tilespmem:s2], [sflag:$0x1] =	stream.linear.gather [hbm4b:s10+s2], $0xC000, $0x38;
	[tilespmem:$0x18000] =	vst v63  }
0x3d: {  	_ =	swait.ge [sflag:s6], $0xC000  }
0x3e: {  	[sflag:s6] =	ssyncset.done $0x0  }
0x3f: {  	s11 =	sadd.s32 s31, s25;
	[sflag:s6] =	ssyncadd.s32 $0xFFFF4000  }
0x40: {  	[hbm4b:s11+s2] =	stream.linear.scatter [tilespmem:s3], [sflag:$0x4], $0xC000, $0x38;
	[tilespmem:$0x18000] =	vst v63  }
0x41: {  	_ =	swait.ge [sflag:s7], $0xC000  }
0x42: {  	s15 =	sadd.s32 $0xA800, s30;
	[sflag:s7] =	ssyncset.done $0x0  }
0x43: {  	s12 =	sadd.s32 s29, s15;
	[sflag:s7] =	ssyncadd.s32 $0xFFFF4000  }
0x44: {  	[tilespmem:s3], [sflag:$0x2] =	stream.linear.gather [hbm4b:s12+s2], $0xC000, $0x38;
	[tilespmem:$0x18000] =	vst v63  }
0x45: {  	_ =	swait.ge [sflag:s4], $0xC000  }
0x46: {  	[sflag:s4] =	ssyncset.done $0x0  }
0x47: {  	s13 =	sadd.s32 s31, s13;
	[sflag:s4] =	ssyncadd.s32 $0xFFFF4000  }
0x48: {  	[hbm4b:s13+s2] =	stream.linear.scatter [tilespmem:s2], [sflag:$0x3], $0xC000, $0x38;
	[tilespmem:$0x18000] =	vst v63  }
0x49: {  	_ =	swait.ge [sflag:s5], $0xC000  }
0x4a: {  	s17 =	sadd.s32 $0xC000, s30;
	[sflag:s5] =	ssyncset.done $0x0  }
0x4b: {  	s14 =	sadd.s32 s29, s17;
	[sflag:s5] =	ssyncadd.s32 $0xFFFF4000  }
0x4c: {  	[tilespmem:s2], [sflag:$0x1] =	stream.linear.gather [hbm4b:s14+s2], $0xC000, $0x38;
	[tilespmem:$0x18000] =	vst v63  }
0x4d: {  	_ =	swait.ge [sflag:s6], $0xC000  }
0x4e: {  	[sflag:s6] =	ssyncset.done $0x0  }
0x4f: {  	s15 =	sadd.s32 s31, s15;
	[sflag:s6] =	ssyncadd.s32 $0xFFFF4000  }
0x50: {  	[hbm4b:s15+s2] =	stream.linear.scatter [tilespmem:s3], [sflag:$0x4], $0xC000, $0x38;
	[tilespmem:$0x18000] =	vst v63  }
0x51: {  	_ =	swait.ge [sflag:s7], $0xC000  }
0x52: {  	s19 =	sadd.s32 $0xD800, s30;
	[sflag:s7] =	ssyncset.done $0x0  }
0x53: {  	s16 =	sadd.s32 s29, s19;
	[sflag:s7] =	ssyncadd.s32 $0xFFFF4000  }
0x54: {  	[tilespmem:s3], [sflag:$0x2] =	stream.linear.gather [hbm4b:s16+s2], $0xC000, $0x38;
	[tilespmem:$0x18000] =	vst v63  }
0x55: {  	_ =	swait.ge [sflag:s4], $0xC000  }
0x56: {  	[sflag:s4] =	ssyncset.done $0x0  }
0x57: {  	s17 =	sadd.s32 s31, s17;
	[sflag:s4] =	ssyncadd.s32 $0xFFFF4000  }
0x58: {  	[hbm4b:s17+s2] =	stream.linear.scatter [tilespmem:s2], [sflag:$0x3], $0xC000, $0x38;
	[tilespmem:$0x18000] =	vst v63  }
0x59: {  	_ =	swait.ge [sflag:s5], $0xC000  }
0x5a: {  	s21 =	sadd.s32 $0xF000, s30;
	[sflag:s5] =	ssyncset.done $0x0  }
0x5b: {  	s18 =	sadd.s32 s29, s21;
	[sflag:s5] =	ssyncadd.s32 $0xFFFF4000  }
0x5c: {  	[tilespmem:s2], [sflag:$0x1] =	stream.linear.gather [hbm4b:s18+s2], $0xC000, $0x38;
	[tilespmem:$0x18000] =	vst v63  }
0x5d: {  	_ =	swait.ge [sflag:s6], $0xC000  }
0x5e: {  	[sflag:s6] =	ssyncset.done $0x0  }
0x5f: {  	s19 =	sadd.s32 s31, s19;
	[sflag:s6] =	ssyncadd.s32 $0xFFFF4000  }
0x60: {  	[hbm4b:s19+s2] =	stream.linear.scatter [tilespmem:s3], [sflag:$0x4], $0xC000, $0x38;
	[tilespmem:$0x18000] =	vst v63  }
0x61: {  	_ =	swait.ge [sflag:s7], $0xC000  }
0x62: {  	s23 =	sadd.s32 $0x10800, s30;
	[sflag:s7] =	ssyncset.done $0x0  }
0x63: {  	s20 =	sadd.s32 s29, s23;
	[sflag:s7] =	ssyncadd.s32 $0xFFFF4000  }
0x64: {  	[tilespmem:s3], [sflag:$0x2] =	stream.linear.gather [hbm4b:s20+s2], $0xC000, $0x38;
	[tilespmem:$0x18000] =	vst v63  }
0x65: {  	_ =	swait.ge [sflag:s4], $0xC000  }
0x66: {  	[sflag:s4] =	ssyncset.done $0x0  }
0x67: {  	s21 =	sadd.s32 s31, s21;
	[sflag:s4] =	ssyncadd.s32 $0xFFFF4000  }
0x68: {  	[hbm4b:s21+s2] =	stream.linear.scatter [tilespmem:s2], [sflag:$0x3], $0xC000, $0x38;
	[tilespmem:$0x18000] =	vst v63  }
0x69: {  	_ =	swait.ge [sflag:s5], $0xC000  }
0x6a: {  	s25 =	sadd.s32 $0x12000, s30;
	[sflag:s5] =	ssyncset.done $0x0  }
0x6b: {  	s22 =	sadd.s32 s29, s25;
	[sflag:s5] =	ssyncadd.s32 $0xFFFF4000  }
0x6c: {  	[tilespmem:s2], [sflag:$0x1] =	stream.linear.gather [hbm4b:s22+s2], $0xC000, $0x38;
	[tilespmem:$0x18000] =	vst v63  }
0x6d: {  	_ =	swait.ge [sflag:s6], $0xC000  }
0x6e: {  	[sflag:s6] =	ssyncset.done $0x0  }
0x6f: {  	s23 =	sadd.s32 s31, s23;
	[sflag:s6] =	ssyncadd.s32 $0xFFFF4000  }
0x70: {  	[hbm4b:s23+s2] =	stream.linear.scatter [tilespmem:s3], [sflag:$0x4], $0xC000, $0x38;
	[tilespmem:$0x18000] =	vst v63  }
0x71: {  	_ =	swait.ge [sflag:s7], $0xC000  }
0x72: {  	s28 =	sadd.s32 $0x13800, s30;
	[sflag:s7] =	ssyncset.done $0x0  }
0x73: {  	s24 =	sadd.s32 s29, s28;
	[sflag:s7] =	ssyncadd.s32 $0xFFFF4000  }
0x74: {  	[tilespmem:s3], [sflag:$0x2] =	stream.linear.gather [hbm4b:s24+s2], $0xC000, $0x38;
	[tilespmem:$0x18000] =	vst v63  }
0x75: {  	_ =	swait.ge [sflag:s4], $0xC000  }
0x76: {  	[sflag:s4] =	ssyncset.done $0x0  }
0x77: {  	s25 =	sadd.s32 s31, s25;
	[sflag:s4] =	ssyncadd.s32 $0xFFFF4000  }
0x78: {  	[hbm4b:s25+s2] =	stream.linear.scatter [tilespmem:s2], [sflag:$0x3], $0xC000, $0x38;
	[tilespmem:$0x18000] =	vst v63  }
0x79: {  	_ =	swait.ge [sflag:s5], $0xC000  }
0x7a: {  	s9 =	smov.u32 s0;
	s0 =	sadd.s32 $0x15000, s30;
	[sflag:s5] =	ssyncset.done $0x0  }
0x7b: {  	s26 =	sadd.s32 s29, s0;
	[sflag:s5] =	ssyncadd.s32 $0xFFFF4000  }
0x7c: {  	[tilespmem:s2], [sflag:$0x1] =	stream.linear.gather [hbm4b:s26+s2], $0xC000, $0x38;
	[tilespmem:$0x18000] =	vst v63  }
0x7d: {  	_ =	swait.ge [sflag:s6], $0xC000  }
0x7e: {  	[sflag:s6] =	ssyncset.done $0x0  }
0x7f: {  	s28 =	sadd.s32 s31, s28;
	[sflag:s6] =	ssyncadd.s32 $0xFFFF4000  }
0x80: {  	[hbm4b:s28+s2] =	stream.linear.scatter [tilespmem:s3], [sflag:$0x4], $0xC000, $0x38;
	[tilespmem:$0x18000] =	vst v63  }
0x81: {  	_ =	swait.ge [sflag:s7], $0xC000  }
0x82: {  	s8 =	sadd.s32 $0x16800, s30;
	[sflag:s7] =	ssyncset.done $0x0  }
0x83: {  	s29 =	sadd.s32 s29, s8;
	[sflag:s7] =	ssyncadd.s32 $0xFFFF4000  }
0x84: {  	[tilespmem:s3], [sflag:$0x2] =	stream.linear.gather [hbm4b:s29+s2], $0xC000, $0x38;
	[tilespmem:$0x18000] =	vst v63  }
0x85: {  	_ =	swait.ge [sflag:s4], $0xC000  }
0x86: {  	[sflag:s4] =	ssyncset.done $0x0  }
0x87: {  	s30 =	sadd.s32 s31, s0;
	[sflag:s4] =	ssyncadd.s32 $0xFFFF4000  }
0x88: {  	[hbm4b:s30+s2] =	stream.linear.scatter [tilespmem:s2], [sflag:$0x3], $0xC000, $0x38;
	[tilespmem:$0x18000] =	vst v63  }
0x89: {  	_ =	swait.ge [sflag:s6], $0xC000  }
0x8a: {  	[sflag:s6] =	ssyncset.done $0x0;
	s1 =	rddreg [dreg:$0xd]  }
0x8b: {  	s31 =	sadd.s32 s31, s8;
	s0 =	ssub.s32 $0x2, s1;
	[sflag:s6] =	ssyncadd.s32 $0xFFFF4000  }
0x8c: {  	[hbm4b:s31+s2] =	stream.linear.scatter [tilespmem:s3], [sflag:$0x4], $0xC000, $0x38;
	[tilespmem:$0x18000] =	vst v63  }
0x8d: {  	s8 =	sshrl.u32 s0, $0x1  }
0x8e: {  	s0 =	ssub.s32 s0, s8  }
0x8f: {  	s0 =	smax.u32 s0, $0x1  }
0x90: {  	p0 =	sne.s32 s0, $0x1  }
.Ltmp0:
0x91: {  	_ =	swait.ge [sflag:s5], $0xC000;
	(pc) =	sbr.rel @!p0 .LBB2_2-.Ltmp0, $4  }
0x92: {  	[sflag:s5] =	ssyncset.done $0x0  }
0x93: {  	[sflag:s5] =	ssyncadd.s32 $0xFFFF4000  }
0x94: {  	_ =	swait.ge [sflag:s7], $0xC000  }
0x95: {  	s1 =	sadd.s32 $0xFFFFFFFF, s0;
	[sflag:s7] =	ssyncset.done $0x0  }
.LBB2_1:
0x96: {  	s0 =	rddreg [dreg:$0x3];
	[sflag:s7] =	ssyncadd.s32 $0xFFFF4000  }
0x97: {  	[tilespmem:s2], [sflag:$0x1] =	stream.linear.gather [hbm4b:s0+s2], $0xC000, $0x38;
	[tilespmem:$0x18000] =	vst v63  }
0x98: {  	s8 =	rddreg [dreg:$0x4]  }
0x99: {  	[tilespmem:s3], [sflag:$0x2] =	stream.linear.gather [hbm4b:s8+s2], $0xC000, $0x38;
	[tilespmem:$0x18000] =	vst v63  }
0x9a: {  	_ =	swait.ge [sflag:s4], $0xC000  }
0x9b: {  	[sflag:s4] =	ssyncset.done $0x0  }
0x9c: {  	s8 =	rddreg [dreg:$0x5];
	[sflag:s4] =	ssyncadd.s32 $0xFFFF4000  }
0x9d: {  	[hbm4b:s8+s2] =	stream.linear.scatter [tilespmem:s2], [sflag:$0x3], $0xC000, $0x38;
	[tilespmem:$0x18000] =	vst v63  }
0x9e: {  	_ =	swait.ge [sflag:s5], $0xC000  }
0x9f: {  	[sflag:s5] =	ssyncset.done $0x0  }
0xa0: {  	s8 =	rddreg [dreg:$0x6];
	[sflag:s5] =	ssyncadd.s32 $0xFFFF4000  }
0xa1: {  	[tilespmem:s2], [sflag:$0x1] =	stream.linear.gather [hbm4b:s8+s2], $0xC000, $0x38;
	[tilespmem:$0x18000] =	vst v63  }
0xa2: {  	_ =	swait.ge [sflag:s6], $0xC000  }
0xa3: {  	[sflag:s6] =	ssyncset.done $0x0  }
0xa4: {  	s8 =	rddreg [dreg:$0x7];
	[sflag:s6] =	ssyncadd.s32 $0xFFFF4000  }
0xa5: {  	[hbm4b:s8+s2] =	stream.linear.scatter [tilespmem:s3], [sflag:$0x4], $0xC000, $0x38;
	[tilespmem:$0x18000] =	vst v63  }
0xa6: {  	_ =	swait.ge [sflag:s7], $0xC000  }
0xa7: {  	[sflag:s7] =	ssyncset.done $0x0  }
0xa8: {  	s8 =	rddreg [dreg:$0x8];
	[sflag:s7] =	ssyncadd.s32 $0xFFFF4000  }
0xa9: {  	[tilespmem:s3], [sflag:$0x2] =	stream.linear.gather [hbm4b:s8+s2], $0xC000, $0x38;
	[tilespmem:$0x18000] =	vst v63  }
0xaa: {  	_ =	swait.ge [sflag:s4], $0xC000  }
0xab: {  	[sflag:s4] =	ssyncset.done $0x0  }
0xac: {  	s8 =	rddreg [dreg:$0x9];
	[sflag:s4] =	ssyncadd.s32 $0xFFFF4000  }
0xad: {  	[hbm4b:s8+s2] =	stream.linear.scatter [tilespmem:s2], [sflag:$0x3], $0xC000, $0x38;
	[tilespmem:$0x18000] =	vst v63  }
0xae: {  	_ =	swait.ge [sflag:s5], $0xC000  }
0xaf: {  	[sflag:s5] =	ssyncset.done $0x0  }
0xb0: {  	s8 =	rddreg [dreg:$0xa];
	[sflag:s5] =	ssyncadd.s32 $0xFFFF4000  }
0xb1: {  	[tilespmem:s2], [sflag:$0x1] =	stream.linear.gather [hbm4b:s8+s2], $0xC000, $0x38;
	[tilespmem:$0x18000] =	vst v63  }
0xb2: {  	_ =	swait.ge [sflag:s6], $0xC000  }
0xb3: {  	[sflag:s6] =	ssyncset.done $0x0  }
0xb4: {  	s8 =	rddreg [dreg:$0xb];
	[sflag:s6] =	ssyncadd.s32 $0xFFFF4000  }
0xb5: {  	[hbm4b:s8+s2] =	stream.linear.scatter [tilespmem:s3], [sflag:$0x4], $0xC000, $0x38;
	[tilespmem:$0x18000] =	vst v63  }
0xb6: {  	_ =	swait.ge [sflag:s7], $0xC000  }
0xb7: {  	[sflag:s7] =	ssyncset.done $0x0  }
0xb8: {  	s8 =	rddreg [dreg:$0xc];
	[sflag:s7] =	ssyncadd.s32 $0xFFFF4000  }
0xb9: {  	[tilespmem:s3], [sflag:$0x2] =	stream.linear.gather [hbm4b:s8+s2], $0xC000, $0x38;
	[tilespmem:$0x18000] =	vst v63  }
0xba: {  	_ =	swait.ge [sflag:s4], $0xC000  }
0xbb: {  	[sflag:s4] =	ssyncset.done $0x0  }
0xbc: {  	[sflag:s4] =	ssyncadd.s32 $0xFFFF4000  }
0xbd: {  	[hbm4b:s9+s2] =	stream.linear.scatter [tilespmem:s2], [sflag:$0x3], $0xC000, $0x38;
	[tilespmem:$0x18000] =	vst v63  }
0xbe: {  	_ =	swait.ge [sflag:s5], $0xC000  }
0xbf: {  	[sflag:s5] =	ssyncset.done $0x0  }
0xc0: {  	[sflag:s5] =	ssyncadd.s32 $0xFFFF4000  }
0xc1: {  	[tilespmem:s2], [sflag:$0x1] =	stream.linear.gather [hbm4b:s10+s2], $0xC000, $0x38;
	[tilespmem:$0x18000] =	vst v63  }
0xc2: {  	_ =	swait.ge [sflag:s6], $0xC000  }
0xc3: {  	[sflag:s6] =	ssyncset.done $0x0  }
0xc4: {  	[sflag:s6] =	ssyncadd.s32 $0xFFFF4000  }
0xc5: {  	[hbm4b:s11+s2] =	stream.linear.scatter [tilespmem:s3], [sflag:$0x4], $0xC000, $0x38;
	[tilespmem:$0x18000] =	vst v63  }
0xc6: {  	_ =	swait.ge [sflag:s7], $0xC000  }
0xc7: {  	[sflag:s7] =	ssyncset.done $0x0  }
0xc8: {  	[sflag:s7] =	ssyncadd.s32 $0xFFFF4000  }
0xc9: {  	[tilespmem:s3], [sflag:$0x2] =	stream.linear.gather [hbm4b:s12+s2], $0xC000, $0x38;
	[tilespmem:$0x18000] =	vst v63  }
0xca: {  	_ =	swait.ge [sflag:s4], $0xC000  }
0xcb: {  	[sflag:s4] =	ssyncset.done $0x0  }
0xcc: {  	[sflag:s4] =	ssyncadd.s32 $0xFFFF4000  }
0xcd: {  	[hbm4b:s13+s2] =	stream.linear.scatter [tilespmem:s2], [sflag:$0x3], $0xC000, $0x38;
	[tilespmem:$0x18000] =	vst v63  }
0xce: {  	_ =	swait.ge [sflag:s5], $0xC000  }
0xcf: {  	[sflag:s5] =	ssyncset.done $0x0  }
0xd0: {  	[sflag:s5] =	ssyncadd.s32 $0xFFFF4000  }
0xd1: {  	[tilespmem:s2], [sflag:$0x1] =	stream.linear.gather [hbm4b:s14+s2], $0xC000, $0x38;
	[tilespmem:$0x18000] =	vst v63  }
0xd2: {  	_ =	swait.ge [sflag:s6], $0xC000  }
0xd3: {  	[sflag:s6] =	ssyncset.done $0x0  }
0xd4: {  	[sflag:s6] =	ssyncadd.s32 $0xFFFF4000  }
0xd5: {  	[hbm4b:s15+s2] =	stream.linear.scatter [tilespmem:s3], [sflag:$0x4], $0xC000, $0x38;
	[tilespmem:$0x18000] =	vst v63  }
0xd6: {  	_ =	swait.ge [sflag:s7], $0xC000  }
0xd7: {  	[sflag:s7] =	ssyncset.done $0x0  }
0xd8: {  	[sflag:s7] =	ssyncadd.s32 $0xFFFF4000  }
0xd9: {  	[tilespmem:s3], [sflag:$0x2] =	stream.linear.gather [hbm4b:s16+s2], $0xC000, $0x38;
	[tilespmem:$0x18000] =	vst v63  }
0xda: {  	_ =	swait.ge [sflag:s4], $0xC000  }
0xdb: {  	[sflag:s4] =	ssyncset.done $0x0  }
0xdc: {  	[sflag:s4] =	ssyncadd.s32 $0xFFFF4000  }
0xdd: {  	[hbm4b:s17+s2] =	stream.linear.scatter [tilespmem:s2], [sflag:$0x3], $0xC000, $0x38;
	[tilespmem:$0x18000] =	vst v63  }
0xde: {  	_ =	swait.ge [sflag:s5], $0xC000  }
0xdf: {  	[sflag:s5] =	ssyncset.done $0x0  }
0xe0: {  	[sflag:s5] =	ssyncadd.s32 $0xFFFF4000  }
0xe1: {  	[tilespmem:s2], [sflag:$0x1] =	stream.linear.gather [hbm4b:s18+s2], $0xC000, $0x38;
	[tilespmem:$0x18000] =	vst v63  }
0xe2: {  	_ =	swait.ge [sflag:s6], $0xC000  }
0xe3: {  	[sflag:s6] =	ssyncset.done $0x0  }
0xe4: {  	[sflag:s6] =	ssyncadd.s32 $0xFFFF4000  }
0xe5: {  	[hbm4b:s19+s2] =	stream.linear.scatter [tilespmem:s3], [sflag:$0x4], $0xC000, $0x38;
	[tilespmem:$0x18000] =	vst v63  }
0xe6: {  	_ =	swait.ge [sflag:s7], $0xC000  }
0xe7: {  	[sflag:s7] =	ssyncset.done $0x0  }
0xe8: {  	[sflag:s7] =	ssyncadd.s32 $0xFFFF4000  }
0xe9: {  	[tilespmem:s3], [sflag:$0x2] =	stream.linear.gather [hbm4b:s20+s2], $0xC000, $0x38;
	[tilespmem:$0x18000] =	vst v63  }
0xea: {  	_ =	swait.ge [sflag:s4], $0xC000  }
0xeb: {  	[sflag:s4] =	ssyncset.done $0x0  }
0xec: {  	[sflag:s4] =	ssyncadd.s32 $0xFFFF4000  }
0xed: {  	[hbm4b:s21+s2] =	stream.linear.scatter [tilespmem:s2], [sflag:$0x3], $0xC000, $0x38;
	[tilespmem:$0x18000] =	vst v63  }
0xee: {  	_ =	swait.ge [sflag:s5], $0xC000  }
0xef: {  	[sflag:s5] =	ssyncset.done $0x0  }
0xf0: {  	[sflag:s5] =	ssyncadd.s32 $0xFFFF4000  }
0xf1: {  	[tilespmem:s2], [sflag:$0x1] =	stream.linear.gather [hbm4b:s22+s2], $0xC000, $0x38;
	[tilespmem:$0x18000] =	vst v63  }
0xf2: {  	_ =	swait.ge [sflag:s6], $0xC000  }
0xf3: {  	[sflag:s6] =	ssyncset.done $0x0  }
0xf4: {  	[sflag:s6] =	ssyncadd.s32 $0xFFFF4000  }
0xf5: {  	[hbm4b:s23+s2] =	stream.linear.scatter [tilespmem:s3], [sflag:$0x4], $0xC000, $0x38;
	[tilespmem:$0x18000] =	vst v63  }
0xf6: {  	_ =	swait.ge [sflag:s7], $0xC000  }
0xf7: {  	[sflag:s7] =	ssyncset.done $0x0  }
0xf8: {  	[sflag:s7] =	ssyncadd.s32 $0xFFFF4000  }
0xf9: {  	[tilespmem:s3], [sflag:$0x2] =	stream.linear.gather [hbm4b:s24+s2], $0xC000, $0x38;
	[tilespmem:$0x18000] =	vst v63  }
0xfa: {  	_ =	swait.ge [sflag:s4], $0xC000  }
0xfb: {  	[sflag:s4] =	ssyncset.done $0x0  }
0xfc: {  	[sflag:s4] =	ssyncadd.s32 $0xFFFF4000  }
0xfd: {  	[hbm4b:s25+s2] =	stream.linear.scatter [tilespmem:s2], [sflag:$0x3], $0xC000, $0x38;
	[tilespmem:$0x18000] =	vst v63  }
0xfe: {  	_ =	swait.ge [sflag:s5], $0xC000  }
0xff: {  	[sflag:s5] =	ssyncset.done $0x0  }
0x100: {  	[sflag:s5] =	ssyncadd.s32 $0xFFFF4000  }
0x101: {  	[tilespmem:s2], [sflag:$0x1] =	stream.linear.gather [hbm4b:s26+s2], $0xC000, $0x38;
	[tilespmem:$0x18000] =	vst v63  }
0x102: {  	_ =	swait.ge [sflag:s6], $0xC000  }
0x103: {  	[sflag:s6] =	ssyncset.done $0x0  }
0x104: {  	[sflag:s6] =	ssyncadd.s32 $0xFFFF4000  }
0x105: {  	[hbm4b:s28+s2] =	stream.linear.scatter [tilespmem:s3], [sflag:$0x4], $0xC000, $0x38;
	[tilespmem:$0x18000] =	vst v63  }
0x106: {  	_ =	swait.ge [sflag:s7], $0xC000  }
0x107: {  	[sflag:s7] =	ssyncset.done $0x0  }
0x108: {  	[sflag:s7] =	ssyncadd.s32 $0xFFFF4000  }
0x109: {  	[tilespmem:s3], [sflag:$0x2] =	stream.linear.gather [hbm4b:s29+s2], $0xC000, $0x38;
	[tilespmem:$0x18000] =	vst v63  }
0x10a: {  	_ =	swait.ge [sflag:s4], $0xC000  }
0x10b: {  	[sflag:s4] =	ssyncset.done $0x0  }
0x10c: {  	[sflag:s4] =	ssyncadd.s32 $0xFFFF4000  }
0x10d: {  	[hbm4b:s30+s2] =	stream.linear.scatter [tilespmem:s2], [sflag:$0x3], $0xC000, $0x38;
	[tilespmem:$0x18000] =	vst v63  }
0x10e: {  	_ =	swait.ge [sflag:s6], $0xC000  }
0x10f: {  	[sflag:s6] =	ssyncset.done $0x0  }
0x110: {  	p0 =	sne.s32 s1, $0x1;
	[sflag:s6] =	ssyncadd.s32 $0xFFFF4000  }
0x111: {  	[hbm4b:s31+s2] =	stream.linear.scatter [tilespmem:s3], [sflag:$0x4], $0xC000, $0x38;
	[tilespmem:$0x18000] =	vst v63  }
.Ltmp1:
0x112: {  	_ =	swait.ge [sflag:s5], $0xC000;
	(pc) =	sbr.rel @p0 .LBB2_1-.Ltmp1, $4  }
0x113: {  	[sflag:s5] =	ssyncset.done $0x0  }
0x114: {  	[sflag:s5] =	ssyncadd.s32 $0xFFFF4000  }
0x115: {  	_ =	swait.ge [sflag:s7], $0xC000  }
0x116: {  	s1 =	sadd.s32 $0xFFFFFFFF, s1;
	[sflag:s7] =	ssyncset.done $0x0  }
.LBB2_2:
0x117: {  	[sflag:s7] =	ssyncadd.s32 $0xFFFF4000  }
0x118: {  	_ =	sfence.sel $0x180000  }
0x119: {  	[bflag:$0x0] =	sbarrier.arrive $0xFFFF  }
0x11a: {  	_ =	strace $0x90000047  }
0x11b: {  	s0 =	stileid.u32;
	[bflag:$0x2] =	sbarrier.arrive $0xFFFF  }
0x11c: {  	p0 =	sne.s32 s0, $0x0;
	s0 =	rddreg [dreg:$0x2]  }
0x11d: {  	s0 =	sadd.s32 @!p0 $0x100000, s0  }
0x11e: {  	[sflag:s0] =	ssyncadd.tile.s32 @!p0 $0x1;
	_ =	shalt  }
.Lfunc_end2:
_tile_overlayer_lowered:
.L_overlay_start_2:
0x11f: {  	(tag) =	ssettag $0x2  }
0x120: {  	s0 =	rddreg [dreg:$0x0];
	s2 =	stileid.u32  }
0x121: {  	s1 =	rddreg [dreg:$0x1];
	p0 =	sne.s32 s2, $0x0  }
0x122: {  	s3 =	rddreg [dreg:$0x2];
	[bflag:$0x3] =	sbarrier.arrive $0xFFFF;
	s2 =	simm.s32 @!p0 $0x1C05  }
0x123: {  	[timem:s3], [sflag:s2] =	dma.local @!p0 [hbm:s0], s1  }
0x124: {  	s0 =	simm.s32 @!p0 $0x5  }
0x125: {  	_ =	swait.ge @!p0 [sflag:s0], s1  }
0x126: {  	s1 =	ssub.s32 @!p0 $0x0, s1;
	[sflag:s0] =	ssyncset.done @!p0 $0x0  }
0x127: {  	[sflag:s0] =	ssyncadd.s32 @!p0 s1  }
0x128: {  	[bflag:$0x3] =	sbarrier.arrive $0xFFFF  }
0x129: {  	_ =	shalt  }

</sc_bundles>
